<compile_context>
chip_gen: v7x
topology: tpu7x:2x2x1
jax: 0.10.2.dev20260603
libtpu: 0.0.44.dev20260713+nightly
codegen_flags: <defaults>
</compile_context>

<pallas_src>
import functools

import jax
import jax.numpy as jnp
from jax import lax
from jax.experimental import pallas as pl
from jax.experimental.pallas import tpu as pltpu
from jax.experimental.pallas import tpu_sc as plsc

NB = 4096
T = 50
D = 128
V = 1000
NC, NS = 2, 16
NW = NC * NS
BPW = NB // NW
NBUF = 5
NOUTER = T // NBUF

_mesh = plsc.VectorSubcoreMesh(core_axis_name="c", subcore_axis_name="s")


@functools.partial(
    pl.kernel,
    mesh=_mesh,
    out_type=jax.ShapeDtypeStruct((T, NB, D), jnp.float32),
    scratch_types=[
        pltpu.VMEM((T, BPW), jnp.int32),
        pltpu.VMEM((NBUF, BPW, D), jnp.float32),
        pltpu.VMEM_SHARED((V, D), jnp.float32),
        pltpu.SemaphoreType.DMA((NBUF,)),
        pltpu.SemaphoreType.DMA((NBUF,)),
    ],
)
def _gather_kernel(idx_hbm, table_hbm, out_hbm, idx_v, rows_v, table_sp, gsem, osem):
    wid = lax.axis_index("s") * NC + lax.axis_index("c")
    col0 = wid * BPW

    @pl.when(lax.axis_index("s") == 0)
    def _():
        pltpu.sync_copy(table_hbm, table_sp)

    pltpu.sync_copy(idx_hbm.at[:, pl.ds(col0, BPW)], idx_v)
    plsc.subcore_barrier()

    def gather(b, t):
        return pltpu.make_async_copy(
            table_sp.at[idx_v.at[t]], rows_v.at[b], gsem.at[b]
        )

    def out_copy(b, t):
        return pltpu.make_async_copy(
            rows_v.at[b], out_hbm.at[t, pl.ds(col0, BPW)], osem.at[b]
        )

    for b in range(NBUF):
        gather(b, b).start()

    def body(g, carry):
        for b in range(NBUF):
            t = g * NBUF + b
            gather(b, t).wait()
            out_copy(b, t).start()
            out_copy(b, t).wait()
            gather(b, t + NBUF).start()
        return carry

    lax.fori_loop(0, NOUTER - 1, body, 0, unroll=False)

    for b in range(NBUF):
        t = (NOUTER - 1) * NBUF + b
        gather(b, t).wait()
        out_copy(b, t).start()
        out_copy(b, t).wait()


def kernel(prefix_token_ids, prefix_embedding):
    idx_t = prefix_token_ids.T.astype(jnp.int32)
    out_t = _gather_kernel(idx_t, prefix_embedding)
    return out_t.transpose(1, 0, 2)

# --- scband reference (transcript-rebuilt; emitter-appended) ---
"""Pipeline reference for scband-prefix-encoder-29970281791901 (READ-ONLY COPY).

The authoritative reference and input builder live on the scoring server;
editing this copy changes nothing except your own understanding.
"""

import jax, jax.numpy as jnp
import numpy as np

NUM_VIRTUAL_TOKENS = 1000
EMBEDDING_DIM = 128

def setup_inputs(seed: int = 0) -> dict:
    key = jax.random.key(seed)
    k1, k2 = jax.random.split(key)
    prefix_token_ids = jax.random.randint(k1, (4096, 50), 0, NUM_VIRTUAL_TOKENS, dtype=jnp.int64 if jax.config.jax_enable_x64 else jnp.int32)
    prefix_embedding = jax.random.normal(k2, (NUM_VIRTUAL_TOKENS, EMBEDDING_DIM), dtype=jnp.float32)
    return {"prefix_token_ids": prefix_token_ids, "prefix_embedding": prefix_embedding}

def reference(prefix_token_ids, prefix_embedding):
    # torch.nn.Embedding lookup == row gather from the table
    return jnp.take(prefix_embedding, prefix_token_ids, axis=0)

if __name__ == "__main__":
    import jax
    _d = setup_inputs()
    print(jax.jit(kernel)(*tuple(_d.values())))

</pallas_src>

<mosaic_0001>
#map = affine_map<(d0, d1) -> (0, 0)>
#map1 = affine_map<(d0, d1) -> (0, 0, 0)>
module attributes {stable_mosaic.version = 14 : i64} {
  func.func @_gather_kernel(%arg0: i32, %arg1: i32, %arg2: memref<50x4096xi32, #tpu.memory_space<hbm>>, %arg3: memref<1000x128xf32, #tpu.memory_space<hbm>>, %arg4: memref<50x4096x128xf32, #tpu.memory_space<hbm>>, %arg5: memref<50x128xi32, #tpu.memory_space<vmem>>, %arg6: memref<5x128x128xf32, #tpu.memory_space<vmem>>, %arg7: memref<1000x128xf32, #tpu.memory_space<vmem_shared>>, %arg8: memref<5x!tpu.dma_semaphore, #tpu.memory_space<semaphore_mem>>, %arg9: memref<5x!tpu.dma_semaphore, #tpu.memory_space<semaphore_mem>>) attributes {dimension_semantics = [#tpu.dimension_semantics<core_parallel>, #tpu.dimension_semantics<subcore_parallel>], iteration_bounds = array<i64: 2, 16>, scalar_prefetch = 0 : i64, scratch_operands = 5 : i64, tpu.core_type = #tpu.core_type<sc_vector_subcore>, window_params = [{transform_indices = #map}, {transform_indices = #map}, {transform_indices = #map1}]} {
    %mul3A = arith.constant 2 : i32
    %mul3A_0 = arith.muli %arg1, %mul3A : i32
    %add3A = arith.addi %mul3A_0, %arg0 : i32
    %mul3A_1 = arith.constant 128 : i32
    %mul3A_2 = arith.muli %add3A, %mul3A_1 : i32
    %eq3A = arith.constant 0 : i32
    %eq3A_3 = arith.cmpi eq, %arg1, %eq3A : i32
    %convert_element_type3A = arith.extui %eq3A_3 : i1 to i32
    %cond3A = arith.constant 0 : i32
    %cond3A_4 = arith.cmpi ne, %convert_element_type3A, %cond3A : i32
    scf.if %cond3A_4 {
      "tpu.region"() ({
        %run_scoped3A = tpu.sem_alloc : memref<!tpu.dma_semaphore, #tpu.memory_space<semaphore_mem>>
        tpu.enqueue_dma source(%arg3 : memref<1000x128xf32, #tpu.memory_space<hbm>>) target(%arg7 : memref<1000x128xf32, #tpu.memory_space<vmem_shared>>) target_semaphore(%run_scoped3A : memref<!tpu.dma_semaphore, #tpu.memory_space<semaphore_mem>>)
        tpu.wait_dma2 semaphore(%run_scoped3A : memref<!tpu.dma_semaphore, #tpu.memory_space<semaphore_mem>>) src(%arg3 : memref<1000x128xf32, #tpu.memory_space<hbm>>) dst(%arg7 : memref<1000x128xf32, #tpu.memory_space<vmem_shared>>)
        tpu.yield
      }) : () -> ()
    } else {
    }
    "tpu.region"() ({
      %run_scoped3A = tpu.sem_alloc : memref<!tpu.dma_semaphore, #tpu.memory_space<semaphore_mem>>
      %dma_start3A_348 = arith.constant 0 : i32
      %dma_start3A_349 = tpu.memref_slice %arg2[%dma_start3A_348, %mul3A_2] : memref<50x4096xi32, #tpu.memory_space<hbm>> -> memref<50x128xi32, #tpu.memory_space<hbm>>
      %dma_start3A_350 = arith.constant 0 : i32
      %dma_start3A_351 = tpu.memref_slice %arg2[%dma_start3A_350, %mul3A_2] : memref<50x4096xi32, #tpu.memory_space<hbm>> -> memref<50x128xi32, #tpu.memory_space<hbm>>
      tpu.enqueue_dma source(%dma_start3A_351 : memref<50x128xi32, #tpu.memory_space<hbm>>) target(%arg5 : memref<50x128xi32, #tpu.memory_space<vmem>>) target_semaphore(%run_scoped3A : memref<!tpu.dma_semaphore, #tpu.memory_space<semaphore_mem>>)
      %dma_wait3A_352 = arith.constant 0 : i32
      %dma_wait3A_353 = tpu.memref_slice %arg2[%dma_wait3A_352, %mul3A_2] : memref<50x4096xi32, #tpu.memory_space<hbm>> -> memref<50x128xi32, #tpu.memory_space<hbm>>
      %dma_wait3A_354 = arith.constant 0 : i32
      %dma_wait3A_355 = tpu.memref_slice %arg2[%dma_wait3A_354, %mul3A_2] : memref<50x4096xi32, #tpu.memory_space<hbm>> -> memref<50x128xi32, #tpu.memory_space<hbm>>
      tpu.wait_dma2 semaphore(%run_scoped3A : memref<!tpu.dma_semaphore, #tpu.memory_space<semaphore_mem>>) src(%dma_wait3A_355 : memref<50x128xi32, #tpu.memory_space<hbm>>) dst(%arg5 : memref<50x128xi32, #tpu.memory_space<vmem>>)
      tpu.yield
    }) : () -> ()
    %barrier3A = arith.constant 0 : index
    tpu.barrier barrier_id(%barrier3A)
    %dma_start3A = arith.constant 0 : i32
    %dma_start3A_5 = arith.constant 0 : i32
    %dma_start3A_6 = arith.constant 0 : i32
    %dma_start3A_7 = arith.constant 0 : i32
    %dma_start3A_8 = arith.constant 0 : i32
    %dma_start3A_9 = tpu.memref_slice %arg6[%dma_start3A_5, %dma_start3A_7, %dma_start3A_8] : memref<5x128x128xf32, #tpu.memory_space<vmem>> -> memref<1x128x128xf32, #tpu.memory_space<vmem>>
    %dma_start3A_10 = tpu.memref_squeeze %dma_start3A_9 : memref<1x128x128xf32, #tpu.memory_space<vmem>> -> memref<128x128xf32, #tpu.memory_space<vmem>>
    %dma_start3A_11 = arith.constant 0 : i32
    %dma_start3A_12 = tpu.memref_slice %arg5[%dma_start3A, %dma_start3A_11] : memref<50x128xi32, #tpu.memory_space<vmem>> -> memref<1x128xi32, #tpu.memory_space<vmem>>
    %dma_start3A_13 = tpu.memref_squeeze %dma_start3A_12 : memref<1x128xi32, #tpu.memory_space<vmem>> -> memref<128xi32, #tpu.memory_space<vmem>>
    %dma_start3A_14 = arith.constant 0 : i32
    %dma_start3A_15 = arith.constant 0 : i32
    %dma_start3A_16 = tpu.memref_slice %arg7[%dma_start3A_14, %dma_start3A_15] : memref<1000x128xf32, #tpu.memory_space<vmem_shared>> -> memref<1000x128xf32, #tpu.memory_space<vmem_shared>>
    %dma_start3A_17 = tpu.memref_slice %arg8[%dma_start3A_6] : memref<5x!tpu.dma_semaphore, #tpu.memory_space<semaphore_mem>> -> memref<1x!tpu.dma_semaphore, #tpu.memory_space<semaphore_mem>>
    %dma_start3A_18 = tpu.memref_squeeze %dma_start3A_17 : memref<1x!tpu.dma_semaphore, #tpu.memory_space<semaphore_mem>> -> memref<!tpu.dma_semaphore, #tpu.memory_space<semaphore_mem>>
    tpu.enqueue_indirect_dma source(%dma_start3A_16 : memref<1000x128xf32, #tpu.memory_space<vmem_shared>>) target(%dma_start3A_10 : memref<128x128xf32, #tpu.memory_space<vmem>>) offsets(%dma_start3A_13 : memref<128xi32, #tpu.memory_space<vmem>>) semaphore(%dma_start3A_18 : memref<!tpu.dma_semaphore, #tpu.memory_space<semaphore_mem>>)
    %dma_start3A_19 = arith.constant 1 : i32
    %dma_start3A_20 = arith.constant 1 : i32
    %dma_start3A_21 = arith.constant 1 : i32
    %dma_start3A_22 = arith.constant 0 : i32
    %dma_start3A_23 = arith.constant 0 : i32
    %dma_start3A_24 = tpu.memref_slice %arg6[%dma_start3A_20, %dma_start3A_22, %dma_start3A_23] : memref<5x128x128xf32, #tpu.memory_space<vmem>> -> memref<1x128x128xf32, #tpu.memory_space<vmem>>
    %dma_start3A_25 = tpu.memref_squeeze %dma_start3A_24 : memref<1x128x128xf32, #tpu.memory_space<vmem>> -> memref<128x128xf32, #tpu.memory_space<vmem>>
    %dma_start3A_26 = arith.constant 0 : i32
    %dma_start3A_27 = tpu.memref_slice %arg5[%dma_start3A_19, %dma_start3A_26] : memref<50x128xi32, #tpu.memory_space<vmem>> -> memref<1x128xi32, #tpu.memory_space<vmem>>
    %dma_start3A_28 = tpu.memref_squeeze %dma_start3A_27 : memref<1x128xi32, #tpu.memory_space<vmem>> -> memref<128xi32, #tpu.memory_space<vmem>>
    %dma_start3A_29 = arith.constant 0 : i32
    %dma_start3A_30 = arith.constant 0 : i32
    %dma_start3A_31 = tpu.memref_slice %arg7[%dma_start3A_29, %dma_start3A_30] : memref<1000x128xf32, #tpu.memory_space<vmem_shared>> -> memref<1000x128xf32, #tpu.memory_space<vmem_shared>>
    %dma_start3A_32 = tpu.memref_slice %arg8[%dma_start3A_21] : memref<5x!tpu.dma_semaphore, #tpu.memory_space<semaphore_mem>> -> memref<1x!tpu.dma_semaphore, #tpu.memory_space<semaphore_mem>>
    %dma_start3A_33 = tpu.memref_squeeze %dma_start3A_32 : memref<1x!tpu.dma_semaphore, #tpu.memory_space<semaphore_mem>> -> memref<!tpu.dma_semaphore, #tpu.memory_space<semaphore_mem>>
    tpu.enqueue_indirect_dma source(%dma_start3A_31 : memref<1000x128xf32, #tpu.memory_space<vmem_shared>>) target(%dma_start3A_25 : memref<128x128xf32, #tpu.memory_space<vmem>>) offsets(%dma_start3A_28 : memref<128xi32, #tpu.memory_space<vmem>>) semaphore(%dma_start3A_33 : memref<!tpu.dma_semaphore, #tpu.memory_space<semaphore_mem>>)
    %dma_start3A_34 = arith.constant 2 : i32
    %dma_start3A_35 = arith.constant 2 : i32
    %dma_start3A_36 = arith.constant 2 : i32
    %dma_start3A_37 = arith.constant 0 : i32
    %dma_start3A_38 = arith.constant 0 : i32
    %dma_start3A_39 = tpu.memref_slice %arg6[%dma_start3A_35, %dma_start3A_37, %dma_start3A_38] : memref<5x128x128xf32, #tpu.memory_space<vmem>> -> memref<1x128x128xf32, #tpu.memory_space<vmem>>
    %dma_start3A_40 = tpu.memref_squeeze %dma_start3A_39 : memref<1x128x128xf32, #tpu.memory_space<vmem>> -> memref<128x128xf32, #tpu.memory_space<vmem>>
    %dma_start3A_41 = arith.constant 0 : i32
    %dma_start3A_42 = tpu.memref_slice %arg5[%dma_start3A_34, %dma_start3A_41] : memref<50x128xi32, #tpu.memory_space<vmem>> -> memref<1x128xi32, #tpu.memory_space<vmem>>
    %dma_start3A_43 = tpu.memref_squeeze %dma_start3A_42 : memref<1x128xi32, #tpu.memory_space<vmem>> -> memref<128xi32, #tpu.memory_space<vmem>>
    %dma_start3A_44 = arith.constant 0 : i32
    %dma_start3A_45 = arith.constant 0 : i32
    %dma_start3A_46 = tpu.memref_slice %arg7[%dma_start3A_44, %dma_start3A_45] : memref<1000x128xf32, #tpu.memory_space<vmem_shared>> -> memref<1000x128xf32, #tpu.memory_space<vmem_shared>>
    %dma_start3A_47 = tpu.memref_slice %arg8[%dma_start3A_36] : memref<5x!tpu.dma_semaphore, #tpu.memory_space<semaphore_mem>> -> memref<1x!tpu.dma_semaphore, #tpu.memory_space<semaphore_mem>>
    %dma_start3A_48 = tpu.memref_squeeze %dma_start3A_47 : memref<1x!tpu.dma_semaphore, #tpu.memory_space<semaphore_mem>> -> memref<!tpu.dma_semaphore, #tpu.memory_space<semaphore_mem>>
    tpu.enqueue_indirect_dma source(%dma_start3A_46 : memref<1000x128xf32, #tpu.memory_space<vmem_shared>>) target(%dma_start3A_40 : memref<128x128xf32, #tpu.memory_space<vmem>>) offsets(%dma_start3A_43 : memref<128xi32, #tpu.memory_space<vmem>>) semaphore(%dma_start3A_48 : memref<!tpu.dma_semaphore, #tpu.memory_space<semaphore_mem>>)
    %dma_start3A_49 = arith.constant 3 : i32
    %dma_start3A_50 = arith.constant 3 : i32
    %dma_start3A_51 = arith.constant 3 : i32
    %dma_start3A_52 = arith.constant 0 : i32
    %dma_start3A_53 = arith.constant 0 : i32
    %dma_start3A_54 = tpu.memref_slice %arg6[%dma_start3A_50, %dma_start3A_52, %dma_start3A_53] : memref<5x128x128xf32, #tpu.memory_space<vmem>> -> memref<1x128x128xf32, #tpu.memory_space<vmem>>
    %dma_start3A_55 = tpu.memref_squeeze %dma_start3A_54 : memref<1x128x128xf32, #tpu.memory_space<vmem>> -> memref<128x128xf32, #tpu.memory_space<vmem>>
    %dma_start3A_56 = arith.constant 0 : i32
    %dma_start3A_57 = tpu.memref_slice %arg5[%dma_start3A_49, %dma_start3A_56] : memref<50x128xi32, #tpu.memory_space<vmem>> -> memref<1x128xi32, #tpu.memory_space<vmem>>
    %dma_start3A_58 = tpu.memref_squeeze %dma_start3A_57 : memref<1x128xi32, #tpu.memory_space<vmem>> -> memref<128xi32, #tpu.memory_space<vmem>>
    %dma_start3A_59 = arith.constant 0 : i32
    %dma_start3A_60 = arith.constant 0 : i32
    %dma_start3A_61 = tpu.memref_slice %arg7[%dma_start3A_59, %dma_start3A_60] : memref<1000x128xf32, #tpu.memory_space<vmem_shared>> -> memref<1000x128xf32, #tpu.memory_space<vmem_shared>>
    %dma_start3A_62 = tpu.memref_slice %arg8[%dma_start3A_51] : memref<5x!tpu.dma_semaphore, #tpu.memory_space<semaphore_mem>> -> memref<1x!tpu.dma_semaphore, #tpu.memory_space<semaphore_mem>>
    %dma_start3A_63 = tpu.memref_squeeze %dma_start3A_62 : memref<1x!tpu.dma_semaphore, #tpu.memory_space<semaphore_mem>> -> memref<!tpu.dma_semaphore, #tpu.memory_space<semaphore_mem>>
    tpu.enqueue_indirect_dma source(%dma_start3A_61 : memref<1000x128xf32, #tpu.memory_space<vmem_shared>>) target(%dma_start3A_55 : memref<128x128xf32, #tpu.memory_space<vmem>>) offsets(%dma_start3A_58 : memref<128xi32, #tpu.memory_space<vmem>>) semaphore(%dma_start3A_63 : memref<!tpu.dma_semaphore, #tpu.memory_space<semaphore_mem>>)
    %dma_start3A_64 = arith.constant 4 : i32
    %dma_start3A_65 = arith.constant 4 : i32
    %dma_start3A_66 = arith.constant 4 : i32
    %dma_start3A_67 = arith.constant 0 : i32
    %dma_start3A_68 = arith.constant 0 : i32
    %dma_start3A_69 = tpu.memref_slice %arg6[%dma_start3A_65, %dma_start3A_67, %dma_start3A_68] : memref<5x128x128xf32, #tpu.memory_space<vmem>> -> memref<1x128x128xf32, #tpu.memory_space<vmem>>
    %dma_start3A_70 = tpu.memref_squeeze %dma_start3A_69 : memref<1x128x128xf32, #tpu.memory_space<vmem>> -> memref<128x128xf32, #tpu.memory_space<vmem>>
    %dma_start3A_71 = arith.constant 0 : i32
    %dma_start3A_72 = tpu.memref_slice %arg5[%dma_start3A_64, %dma_start3A_71] : memref<50x128xi32, #tpu.memory_space<vmem>> -> memref<1x128xi32, #tpu.memory_space<vmem>>
    %dma_start3A_73 = tpu.memref_squeeze %dma_start3A_72 : memref<1x128xi32, #tpu.memory_space<vmem>> -> memref<128xi32, #tpu.memory_space<vmem>>
    %dma_start3A_74 = arith.constant 0 : i32
    %dma_start3A_75 = arith.constant 0 : i32
    %dma_start3A_76 = tpu.memref_slice %arg7[%dma_start3A_74, %dma_start3A_75] : memref<1000x128xf32, #tpu.memory_space<vmem_shared>> -> memref<1000x128xf32, #tpu.memory_space<vmem_shared>>
    %dma_start3A_77 = tpu.memref_slice %arg8[%dma_start3A_66] : memref<5x!tpu.dma_semaphore, #tpu.memory_space<semaphore_mem>> -> memref<1x!tpu.dma_semaphore, #tpu.memory_space<semaphore_mem>>
    %dma_start3A_78 = tpu.memref_squeeze %dma_start3A_77 : memref<1x!tpu.dma_semaphore, #tpu.memory_space<semaphore_mem>> -> memref<!tpu.dma_semaphore, #tpu.memory_space<semaphore_mem>>
    tpu.enqueue_indirect_dma source(%dma_start3A_76 : memref<1000x128xf32, #tpu.memory_space<vmem_shared>>) target(%dma_start3A_70 : memref<128x128xf32, #tpu.memory_space<vmem>>) offsets(%dma_start3A_73 : memref<128xi32, #tpu.memory_space<vmem>>) semaphore(%dma_start3A_78 : memref<!tpu.dma_semaphore, #tpu.memory_space<semaphore_mem>>)
    %scan3A = arith.constant 0 : i32
    %scan3A_79 = arith.constant 0 : i32
    %scan3A_80 = arith.constant 9 : i32
    %scan3A_81 = arith.addi %scan3A_79, %scan3A_80 : i32
    %scan3A_82 = arith.constant 1 : i32
    scf.for %scan3A_348 = %scan3A_79 to %scan3A_81 step %scan3A_82  : i32 {
      %mul3A_349 = arith.constant 5 : i32
      %mul3A_350 = arith.muli %scan3A_348, %mul3A_349 : i32
      %add3A_351 = arith.constant 0 : i32
      %add3A_352 = arith.addi %mul3A_350, %add3A_351 : i32
      %dma_wait3A_353 = arith.constant 0 : i32
      %dma_wait3A_354 = arith.constant 0 : i32
      %dma_wait3A_355 = arith.constant 0 : i32
      %dma_wait3A_356 = arith.constant 0 : i32
      %dma_wait3A_357 = tpu.memref_slice %arg6[%dma_wait3A_353, %dma_wait3A_355, %dma_wait3A_356] : memref<5x128x128xf32, #tpu.memory_space<vmem>> -> memref<1x128x128xf32, #tpu.memory_space<vmem>>
      %dma_wait3A_358 = tpu.memref_squeeze %dma_wait3A_357 : memref<1x128x128xf32, #tpu.memory_space<vmem>> -> memref<128x128xf32, #tpu.memory_space<vmem>>
      %dma_wait3A_359 = arith.constant 0 : i32
      %dma_wait3A_360 = tpu.memref_slice %arg5[%add3A_352, %dma_wait3A_359] : memref<50x128xi32, #tpu.memory_space<vmem>> -> memref<1x128xi32, #tpu.memory_space<vmem>>
      %dma_wait3A_361 = tpu.memref_squeeze %dma_wait3A_360 : memref<1x128xi32, #tpu.memory_space<vmem>> -> memref<128xi32, #tpu.memory_space<vmem>>
      %dma_wait3A_362 = arith.constant 0 : i32
      %dma_wait3A_363 = arith.constant 0 : i32
      %dma_wait3A_364 = tpu.memref_slice %arg7[%dma_wait3A_362, %dma_wait3A_363] : memref<1000x128xf32, #tpu.memory_space<vmem_shared>> -> memref<1000x128xf32, #tpu.memory_space<vmem_shared>>
      %dma_wait3A_365 = tpu.memref_slice %arg8[%dma_wait3A_354] : memref<5x!tpu.dma_semaphore, #tpu.memory_space<semaphore_mem>> -> memref<1x!tpu.dma_semaphore, #tpu.memory_space<semaphore_mem>>
      %dma_wait3A_366 = tpu.memref_squeeze %dma_wait3A_365 : memref<1x!tpu.dma_semaphore, #tpu.memory_space<semaphore_mem>> -> memref<!tpu.dma_semaphore, #tpu.memory_space<semaphore_mem>>
      tpu.wait_indirect_dma semaphore(%dma_wait3A_366 : memref<!tpu.dma_semaphore, #tpu.memory_space<semaphore_mem>>) src(%dma_wait3A_364 : memref<1000x128xf32, #tpu.memory_space<vmem_shared>>) dst(%dma_wait3A_358 : memref<128x128xf32, #tpu.memory_space<vmem>>)
      %dma_start3A_367 = arith.constant 0 : i32
      %dma_start3A_368 = arith.constant 0 : i32
      %dma_start3A_369 = arith.constant 0 : i32
      %dma_start3A_370 = arith.constant 0 : i32
      %dma_start3A_371 = tpu.memref_slice %arg6[%dma_start3A_367, %dma_start3A_369, %dma_start3A_370] : memref<5x128x128xf32, #tpu.memory_space<vmem>> -> memref<1x128x128xf32, #tpu.memory_space<vmem>>
      %dma_start3A_372 = tpu.memref_squeeze %dma_start3A_371 : memref<1x128x128xf32, #tpu.memory_space<vmem>> -> memref<128x128xf32, #tpu.memory_space<vmem>>
      %dma_start3A_373 = arith.constant 0 : i32
      %dma_start3A_374 = tpu.memref_slice %arg4[%add3A_352, %mul3A_2, %dma_start3A_373] : memref<50x4096x128xf32, #tpu.memory_space<hbm>> -> memref<1x128x128xf32, #tpu.memory_space<hbm>>
      %dma_start3A_375 = tpu.memref_squeeze %dma_start3A_374 : memref<1x128x128xf32, #tpu.memory_space<hbm>> -> memref<128x128xf32, #tpu.memory_space<hbm>>
      %dma_start3A_376 = tpu.memref_slice %arg9[%dma_start3A_368] : memref<5x!tpu.dma_semaphore, #tpu.memory_space<semaphore_mem>> -> memref<1x!tpu.dma_semaphore, #tpu.memory_space<semaphore_mem>>
      %dma_start3A_377 = tpu.memref_squeeze %dma_start3A_376 : memref<1x!tpu.dma_semaphore, #tpu.memory_space<semaphore_mem>> -> memref<!tpu.dma_semaphore, #tpu.memory_space<semaphore_mem>>
      %dma_start3A_378 = arith.constant 0 : i32
      %dma_start3A_379 = tpu.memref_slice %arg4[%add3A_352, %mul3A_2, %dma_start3A_378] : memref<50x4096x128xf32, #tpu.memory_space<hbm>> -> memref<1x128x128xf32, #tpu.memory_space<hbm>>
      %dma_start3A_380 = tpu.memref_squeeze %dma_start3A_379 : memref<1x128x128xf32, #tpu.memory_space<hbm>> -> memref<128x128xf32, #tpu.memory_space<hbm>>
      %dma_start3A_381 = arith.constant 0 : i32
      %dma_start3A_382 = arith.constant 0 : i32
      %dma_start3A_383 = tpu.memref_slice %arg6[%dma_start3A_367, %dma_start3A_381, %dma_start3A_382] : memref<5x128x128xf32, #tpu.memory_space<vmem>> -> memref<1x128x128xf32, #tpu.memory_space<vmem>>
      %dma_start3A_384 = tpu.memref_squeeze %dma_start3A_383 : memref<1x128x128xf32, #tpu.memory_space<vmem>> -> memref<128x128xf32, #tpu.memory_space<vmem>>
      tpu.enqueue_dma source(%dma_start3A_384 : memref<128x128xf32, #tpu.memory_space<vmem>>) target(%dma_start3A_380 : memref<128x128xf32, #tpu.memory_space<hbm>>) target_semaphore(%dma_start3A_377 : memref<!tpu.dma_semaphore, #tpu.memory_space<semaphore_mem>>)
      %dma_wait3A_385 = arith.constant 0 : i32
      %dma_wait3A_386 = arith.constant 0 : i32
      %dma_wait3A_387 = arith.constant 0 : i32
      %dma_wait3A_388 = arith.constant 0 : i32
      %dma_wait3A_389 = tpu.memref_slice %arg6[%dma_wait3A_385, %dma_wait3A_387, %dma_wait3A_388] : memref<5x128x128xf32, #tpu.memory_space<vmem>> -> memref<1x128x128xf32, #tpu.memory_space<vmem>>
      %dma_wait3A_390 = tpu.memref_squeeze %dma_wait3A_389 : memref<1x128x128xf32, #tpu.memory_space<vmem>> -> memref<128x128xf32, #tpu.memory_space<vmem>>
      %dma_wait3A_391 = arith.constant 0 : i32
      %dma_wait3A_392 = tpu.memref_slice %arg4[%add3A_352, %mul3A_2, %dma_wait3A_391] : memref<50x4096x128xf32, #tpu.memory_space<hbm>> -> memref<1x128x128xf32, #tpu.memory_space<hbm>>
      %dma_wait3A_393 = tpu.memref_squeeze %dma_wait3A_392 : memref<1x128x128xf32, #tpu.memory_space<hbm>> -> memref<128x128xf32, #tpu.memory_space<hbm>>
      %dma_wait3A_394 = tpu.memref_slice %arg9[%dma_wait3A_386] : memref<5x!tpu.dma_semaphore, #tpu.memory_space<semaphore_mem>> -> memref<1x!tpu.dma_semaphore, #tpu.memory_space<semaphore_mem>>
      %dma_wait3A_395 = tpu.memref_squeeze %dma_wait3A_394 : memref<1x!tpu.dma_semaphore, #tpu.memory_space<semaphore_mem>> -> memref<!tpu.dma_semaphore, #tpu.memory_space<semaphore_mem>>
      %dma_wait3A_396 = arith.constant 0 : i32
      %dma_wait3A_397 = tpu.memref_slice %arg4[%add3A_352, %mul3A_2, %dma_wait3A_396] : memref<50x4096x128xf32, #tpu.memory_space<hbm>> -> memref<1x128x128xf32, #tpu.memory_space<hbm>>
      %dma_wait3A_398 = tpu.memref_squeeze %dma_wait3A_397 : memref<1x128x128xf32, #tpu.memory_space<hbm>> -> memref<128x128xf32, #tpu.memory_space<hbm>>
      %dma_wait3A_399 = arith.constant 0 : i32
      %dma_wait3A_400 = arith.constant 0 : i32
      %dma_wait3A_401 = tpu.memref_slice %arg6[%dma_wait3A_385, %dma_wait3A_399, %dma_wait3A_400] : memref<5x128x128xf32, #tpu.memory_space<vmem>> -> memref<1x128x128xf32, #tpu.memory_space<vmem>>
      %dma_wait3A_402 = tpu.memref_squeeze %dma_wait3A_401 : memref<1x128x128xf32, #tpu.memory_space<vmem>> -> memref<128x128xf32, #tpu.memory_space<vmem>>
      tpu.wait_dma2 semaphore(%dma_wait3A_395 : memref<!tpu.dma_semaphore, #tpu.memory_space<semaphore_mem>>) src(%dma_wait3A_402 : memref<128x128xf32, #tpu.memory_space<vmem>>) dst(%dma_wait3A_398 : memref<128x128xf32, #tpu.memory_space<hbm>>)
      %add3A_403 = arith.constant 5 : i32
      %add3A_404 = arith.addi %add3A_352, %add3A_403 : i32
      %dma_start3A_405 = arith.constant 0 : i32
      %dma_start3A_406 = arith.constant 0 : i32
      %dma_start3A_407 = arith.constant 0 : i32
      %dma_start3A_408 = arith.constant 0 : i32
      %dma_start3A_409 = tpu.memref_slice %arg6[%dma_start3A_405, %dma_start3A_407, %dma_start3A_408] : memref<5x128x128xf32, #tpu.memory_space<vmem>> -> memref<1x128x128xf32, #tpu.memory_space<vmem>>
      %dma_start3A_410 = tpu.memref_squeeze %dma_start3A_409 : memref<1x128x128xf32, #tpu.memory_space<vmem>> -> memref<128x128xf32, #tpu.memory_space<vmem>>
      %dma_start3A_411 = arith.constant 0 : i32
      %dma_start3A_412 = tpu.memref_slice %arg5[%add3A_404, %dma_start3A_411] : memref<50x128xi32, #tpu.memory_space<vmem>> -> memref<1x128xi32, #tpu.memory_space<vmem>>
      %dma_start3A_413 = tpu.memref_squeeze %dma_start3A_412 : memref<1x128xi32, #tpu.memory_space<vmem>> -> memref<128xi32, #tpu.memory_space<vmem>>
      %dma_start3A_414 = arith.constant 0 : i32
      %dma_start3A_415 = arith.constant 0 : i32
      %dma_start3A_416 = tpu.memref_slice %arg7[%dma_start3A_414, %dma_start3A_415] : memref<1000x128xf32, #tpu.memory_space<vmem_shared>> -> memref<1000x128xf32, #tpu.memory_space<vmem_shared>>
      %dma_start3A_417 = tpu.memref_slice %arg8[%dma_start3A_406] : memref<5x!tpu.dma_semaphore, #tpu.memory_space<semaphore_mem>> -> memref<1x!tpu.dma_semaphore, #tpu.memory_space<semaphore_mem>>
      %dma_start3A_418 = tpu.memref_squeeze %dma_start3A_417 : memref<1x!tpu.dma_semaphore, #tpu.memory_space<semaphore_mem>> -> memref<!tpu.dma_semaphore, #tpu.memory_space<semaphore_mem>>
      tpu.enqueue_indirect_dma source(%dma_start3A_416 : memref<1000x128xf32, #tpu.memory_space<vmem_shared>>) target(%dma_start3A_410 : memref<128x128xf32, #tpu.memory_space<vmem>>) offsets(%dma_start3A_413 : memref<128xi32, #tpu.memory_space<vmem>>) semaphore(%dma_start3A_418 : memref<!tpu.dma_semaphore, #tpu.memory_space<semaphore_mem>>)
      %mul3A_419 = arith.constant 5 : i32
      %mul3A_420 = arith.muli %scan3A_348, %mul3A_419 : i32
      %add3A_421 = arith.constant 1 : i32
      %add3A_422 = arith.addi %mul3A_420, %add3A_421 : i32
      %dma_wait3A_423 = arith.constant 1 : i32
      %dma_wait3A_424 = arith.constant 1 : i32
      %dma_wait3A_425 = arith.constant 0 : i32
      %dma_wait3A_426 = arith.constant 0 : i32
      %dma_wait3A_427 = tpu.memref_slice %arg6[%dma_wait3A_423, %dma_wait3A_425, %dma_wait3A_426] : memref<5x128x128xf32, #tpu.memory_space<vmem>> -> memref<1x128x128xf32, #tpu.memory_space<vmem>>
      %dma_wait3A_428 = tpu.memref_squeeze %dma_wait3A_427 : memref<1x128x128xf32, #tpu.memory_space<vmem>> -> memref<128x128xf32, #tpu.memory_space<vmem>>
      %dma_wait3A_429 = arith.constant 0 : i32
      %dma_wait3A_430 = tpu.memref_slice %arg5[%add3A_422, %dma_wait3A_429] : memref<50x128xi32, #tpu.memory_space<vmem>> -> memref<1x128xi32, #tpu.memory_space<vmem>>
      %dma_wait3A_431 = tpu.memref_squeeze %dma_wait3A_430 : memref<1x128xi32, #tpu.memory_space<vmem>> -> memref<128xi32, #tpu.memory_space<vmem>>
      %dma_wait3A_432 = arith.constant 0 : i32
      %dma_wait3A_433 = arith.constant 0 : i32
      %dma_wait3A_434 = tpu.memref_slice %arg7[%dma_wait3A_432, %dma_wait3A_433] : memref<1000x128xf32, #tpu.memory_space<vmem_shared>> -> memref<1000x128xf32, #tpu.memory_space<vmem_shared>>
      %dma_wait3A_435 = tpu.memref_slice %arg8[%dma_wait3A_424] : memref<5x!tpu.dma_semaphore, #tpu.memory_space<semaphore_mem>> -> memref<1x!tpu.dma_semaphore, #tpu.memory_space<semaphore_mem>>
      %dma_wait3A_436 = tpu.memref_squeeze %dma_wait3A_435 : memref<1x!tpu.dma_semaphore, #tpu.memory_space<semaphore_mem>> -> memref<!tpu.dma_semaphore, #tpu.memory_space<semaphore_mem>>
      tpu.wait_indirect_dma semaphore(%dma_wait3A_436 : memref<!tpu.dma_semaphore, #tpu.memory_space<semaphore_mem>>) src(%dma_wait3A_434 : memref<1000x128xf32, #tpu.memory_space<vmem_shared>>) dst(%dma_wait3A_428 : memref<128x128xf32, #tpu.memory_space<vmem>>)
      %dma_start3A_437 = arith.constant 1 : i32
      %dma_start3A_438 = arith.constant 1 : i32
      %dma_start3A_439 = arith.constant 0 : i32
      %dma_start3A_440 = arith.constant 0 : i32
      %dma_start3A_441 = tpu.memref_slice %arg6[%dma_start3A_437, %dma_start3A_439, %dma_start3A_440] : memref<5x128x128xf32, #tpu.memory_space<vmem>> -> memref<1x128x128xf32, #tpu.memory_space<vmem>>
      %dma_start3A_442 = tpu.memref_squeeze %dma_start3A_441 : memref<1x128x128xf32, #tpu.memory_space<vmem>> -> memref<128x128xf32, #tpu.memory_space<vmem>>
      %dma_start3A_443 = arith.constant 0 : i32
      %dma_start3A_444 = tpu.memref_slice %arg4[%add3A_422, %mul3A_2, %dma_start3A_443] : memref<50x4096x128xf32, #tpu.memory_space<hbm>> -> memref<1x128x128xf32, #tpu.memory_space<hbm>>
      %dma_start3A_445 = tpu.memref_squeeze %dma_start3A_444 : memref<1x128x128xf32, #tpu.memory_space<hbm>> -> memref<128x128xf32, #tpu.memory_space<hbm>>
      %dma_start3A_446 = tpu.memref_slice %arg9[%dma_start3A_438] : memref<5x!tpu.dma_semaphore, #tpu.memory_space<semaphore_mem>> -> memref<1x!tpu.dma_semaphore, #tpu.memory_space<semaphore_mem>>
      %dma_start3A_447 = tpu.memref_squeeze %dma_start3A_446 : memref<1x!tpu.dma_semaphore, #tpu.memory_space<semaphore_mem>> -> memref<!tpu.dma_semaphore, #tpu.memory_space<semaphore_mem>>
      %dma_start3A_448 = arith.constant 0 : i32
      %dma_start3A_449 = tpu.memref_slice %arg4[%add3A_422, %mul3A_2, %dma_start3A_448] : memref<50x4096x128xf32, #tpu.memory_space<hbm>> -> memref<1x128x128xf32, #tpu.memory_space<hbm>>
      %dma_start3A_450 = tpu.memref_squeeze %dma_start3A_449 : memref<1x128x128xf32, #tpu.memory_space<hbm>> -> memref<128x128xf32, #tpu.memory_space<hbm>>
      %dma_start3A_451 = arith.constant 0 : i32
      %dma_start3A_452 = arith.constant 0 : i32
      %dma_start3A_453 = tpu.memref_slice %arg6[%dma_start3A_437, %dma_start3A_451, %dma_start3A_452] : memref<5x128x128xf32, #tpu.memory_space<vmem>> -> memref<1x128x128xf32, #tpu.memory_space<vmem>>
      %dma_start3A_454 = tpu.memref_squeeze %dma_start3A_453 : memref<1x128x128xf32, #tpu.memory_space<vmem>> -> memref<128x128xf32, #tpu.memory_space<vmem>>
      tpu.enqueue_dma source(%dma_start3A_454 : memref<128x128xf32, #tpu.memory_space<vmem>>) target(%dma_start3A_450 : memref<128x128xf32, #tpu.memory_space<hbm>>) target_semaphore(%dma_start3A_447 : memref<!tpu.dma_semaphore, #tpu.memory_space<semaphore_mem>>)
      %dma_wait3A_455 = arith.constant 1 : i32
      %dma_wait3A_456 = arith.constant 1 : i32
      %dma_wait3A_457 = arith.constant 0 : i32
      %dma_wait3A_458 = arith.constant 0 : i32
      %dma_wait3A_459 = tpu.memref_slice %arg6[%dma_wait3A_455, %dma_wait3A_457, %dma_wait3A_458] : memref<5x128x128xf32, #tpu.memory_space<vmem>> -> memref<1x128x128xf32, #tpu.memory_space<vmem>>
      %dma_wait3A_460 = tpu.memref_squeeze %dma_wait3A_459 : memref<1x128x128xf32, #tpu.memory_space<vmem>> -> memref<128x128xf32, #tpu.memory_space<vmem>>
      %dma_wait3A_461 = arith.constant 0 : i32
      %dma_wait3A_462 = tpu.memref_slice %arg4[%add3A_422, %mul3A_2, %dma_wait3A_461] : memref<50x4096x128xf32, #tpu.memory_space<hbm>> -> memref<1x128x128xf32, #tpu.memory_space<hbm>>
      %dma_wait3A_463 = tpu.memref_squeeze %dma_wait3A_462 : memref<1x128x128xf32, #tpu.memory_space<hbm>> -> memref<128x128xf32, #tpu.memory_space<hbm>>
      %dma_wait3A_464 = tpu.memref_slice %arg9[%dma_wait3A_456] : memref<5x!tpu.dma_semaphore, #tpu.memory_space<semaphore_mem>> -> memref<1x!tpu.dma_semaphore, #tpu.memory_space<semaphore_mem>>
      %dma_wait3A_465 = tpu.memref_squeeze %dma_wait3A_464 : memref<1x!tpu.dma_semaphore, #tpu.memory_space<semaphore_mem>> -> memref<!tpu.dma_semaphore, #tpu.memory_space<semaphore_mem>>
      %dma_wait3A_466 = arith.constant 0 : i32
      %dma_wait3A_467 = tpu.memref_slice %arg4[%add3A_422, %mul3A_2, %dma_wait3A_466] : memref<50x4096x128xf32, #tpu.memory_space<hbm>> -> memref<1x128x128xf32, #tpu.memory_space<hbm>>
      %dma_wait3A_468 = tpu.memref_squeeze %dma_wait3A_467 : memref<1x128x128xf32, #tpu.memory_space<hbm>> -> memref<128x128xf32, #tpu.memory_space<hbm>>
      %dma_wait3A_469 = arith.constant 0 : i32
      %dma_wait3A_470 = arith.constant 0 : i32
      %dma_wait3A_471 = tpu.memref_slice %arg6[%dma_wait3A_455, %dma_wait3A_469, %dma_wait3A_470] : memref<5x128x128xf32, #tpu.memory_space<vmem>> -> memref<1x128x128xf32, #tpu.memory_space<vmem>>
      %dma_wait3A_472 = tpu.memref_squeeze %dma_wait3A_471 : memref<1x128x128xf32, #tpu.memory_space<vmem>> -> memref<128x128xf32, #tpu.memory_space<vmem>>
      tpu.wait_dma2 semaphore(%dma_wait3A_465 : memref<!tpu.dma_semaphore, #tpu.memory_space<semaphore_mem>>) src(%dma_wait3A_472 : memref<128x128xf32, #tpu.memory_space<vmem>>) dst(%dma_wait3A_468 : memref<128x128xf32, #tpu.memory_space<hbm>>)
      %add3A_473 = arith.constant 5 : i32
      %add3A_474 = arith.addi %add3A_422, %add3A_473 : i32
      %dma_start3A_475 = arith.constant 1 : i32
      %dma_start3A_476 = arith.constant 1 : i32
      %dma_start3A_477 = arith.constant 0 : i32
      %dma_start3A_478 = arith.constant 0 : i32
      %dma_start3A_479 = tpu.memref_slice %arg6[%dma_start3A_475, %dma_start3A_477, %dma_start3A_478] : memref<5x128x128xf32, #tpu.memory_space<vmem>> -> memref<1x128x128xf32, #tpu.memory_space<vmem>>
      %dma_start3A_480 = tpu.memref_squeeze %dma_start3A_479 : memref<1x128x128xf32, #tpu.memory_space<vmem>> -> memref<128x128xf32, #tpu.memory_space<vmem>>
      %dma_start3A_481 = arith.constant 0 : i32
      %dma_start3A_482 = tpu.memref_slice %arg5[%add3A_474, %dma_start3A_481] : memref<50x128xi32, #tpu.memory_space<vmem>> -> memref<1x128xi32, #tpu.memory_space<vmem>>
      %dma_start3A_483 = tpu.memref_squeeze %dma_start3A_482 : memref<1x128xi32, #tpu.memory_space<vmem>> -> memref<128xi32, #tpu.memory_space<vmem>>
      %dma_start3A_484 = arith.constant 0 : i32
      %dma_start3A_485 = arith.constant 0 : i32
      %dma_start3A_486 = tpu.memref_slice %arg7[%dma_start3A_484, %dma_start3A_485] : memref<1000x128xf32, #tpu.memory_space<vmem_shared>> -> memref<1000x128xf32, #tpu.memory_space<vmem_shared>>
      %dma_start3A_487 = tpu.memref_slice %arg8[%dma_start3A_476] : memref<5x!tpu.dma_semaphore, #tpu.memory_space<semaphore_mem>> -> memref<1x!tpu.dma_semaphore, #tpu.memory_space<semaphore_mem>>
      %dma_start3A_488 = tpu.memref_squeeze %dma_start3A_487 : memref<1x!tpu.dma_semaphore, #tpu.memory_space<semaphore_mem>> -> memref<!tpu.dma_semaphore, #tpu.memory_space<semaphore_mem>>
      tpu.enqueue_indirect_dma source(%dma_start3A_486 : memref<1000x128xf32, #tpu.memory_space<vmem_shared>>) target(%dma_start3A_480 : memref<128x128xf32, #tpu.memory_space<vmem>>) offsets(%dma_start3A_483 : memref<128xi32, #tpu.memory_space<vmem>>) semaphore(%dma_start3A_488 : memref<!tpu.dma_semaphore, #tpu.memory_space<semaphore_mem>>)
      %mul3A_489 = arith.constant 5 : i32
      %mul3A_490 = arith.muli %scan3A_348, %mul3A_489 : i32
      %add3A_491 = arith.constant 2 : i32
      %add3A_492 = arith.addi %mul3A_490, %add3A_491 : i32
      %dma_wait3A_493 = arith.constant 2 : i32
      %dma_wait3A_494 = arith.constant 2 : i32
      %dma_wait3A_495 = arith.constant 0 : i32
      %dma_wait3A_496 = arith.constant 0 : i32
      %dma_wait3A_497 = tpu.memref_slice %arg6[%dma_wait3A_493, %dma_wait3A_495, %dma_wait3A_496] : memref<5x128x128xf32, #tpu.memory_space<vmem>> -> memref<1x128x128xf32, #tpu.memory_space<vmem>>
      %dma_wait3A_498 = tpu.memref_squeeze %dma_wait3A_497 : memref<1x128x128xf32, #tpu.memory_space<vmem>> -> memref<128x128xf32, #tpu.memory_space<vmem>>
      %dma_wait3A_499 = arith.constant 0 : i32
      %dma_wait3A_500 = tpu.memref_slice %arg5[%add3A_492, %dma_wait3A_499] : memref<50x128xi32, #tpu.memory_space<vmem>> -> memref<1x128xi32, #tpu.memory_space<vmem>>
      %dma_wait3A_501 = tpu.memref_squeeze %dma_wait3A_500 : memref<1x128xi32, #tpu.memory_space<vmem>> -> memref<128xi32, #tpu.memory_space<vmem>>
      %dma_wait3A_502 = arith.constant 0 : i32
      %dma_wait3A_503 = arith.constant 0 : i32
      %dma_wait3A_504 = tpu.memref_slice %arg7[%dma_wait3A_502, %dma_wait3A_503] : memref<1000x128xf32, #tpu.memory_space<vmem_shared>> -> memref<1000x128xf32, #tpu.memory_space<vmem_shared>>
      %dma_wait3A_505 = tpu.memref_slice %arg8[%dma_wait3A_494] : memref<5x!tpu.dma_semaphore, #tpu.memory_space<semaphore_mem>> -> memref<1x!tpu.dma_semaphore, #tpu.memory_space<semaphore_mem>>
      %dma_wait3A_506 = tpu.memref_squeeze %dma_wait3A_505 : memref<1x!tpu.dma_semaphore, #tpu.memory_space<semaphore_mem>> -> memref<!tpu.dma_semaphore, #tpu.memory_space<semaphore_mem>>
      tpu.wait_indirect_dma semaphore(%dma_wait3A_506 : memref<!tpu.dma_semaphore, #tpu.memory_space<semaphore_mem>>) src(%dma_wait3A_504 : memref<1000x128xf32, #tpu.memory_space<vmem_shared>>) dst(%dma_wait3A_498 : memref<128x128xf32, #tpu.memory_space<vmem>>)
      %dma_start3A_507 = arith.constant 2 : i32
      %dma_start3A_508 = arith.constant 2 : i32
      %dma_start3A_509 = arith.constant 0 : i32
      %dma_start3A_510 = arith.constant 0 : i32
      %dma_start3A_511 = tpu.memref_slice %arg6[%dma_start3A_507, %dma_start3A_509, %dma_start3A_510] : memref<5x128x128xf32, #tpu.memory_space<vmem>> -> memref<1x128x128xf32, #tpu.memory_space<vmem>>
      %dma_start3A_512 = tpu.memref_squeeze %dma_start3A_511 : memref<1x128x128xf32, #tpu.memory_space<vmem>> -> memref<128x128xf32, #tpu.memory_space<vmem>>
      %dma_start3A_513 = arith.constant 0 : i32
      %dma_start3A_514 = tpu.memref_slice %arg4[%add3A_492, %mul3A_2, %dma_start3A_513] : memref<50x4096x128xf32, #tpu.memory_space<hbm>> -> memref<1x128x128xf32, #tpu.memory_space<hbm>>
      %dma_start3A_515 = tpu.memref_squeeze %dma_start3A_514 : memref<1x128x128xf32, #tpu.memory_space<hbm>> -> memref<128x128xf32, #tpu.memory_space<hbm>>
      %dma_start3A_516 = tpu.memref_slice %arg9[%dma_start3A_508] : memref<5x!tpu.dma_semaphore, #tpu.memory_space<semaphore_mem>> -> memref<1x!tpu.dma_semaphore, #tpu.memory_space<semaphore_mem>>
      %dma_start3A_517 = tpu.memref_squeeze %dma_start3A_516 : memref<1x!tpu.dma_semaphore, #tpu.memory_space<semaphore_mem>> -> memref<!tpu.dma_semaphore, #tpu.memory_space<semaphore_mem>>
      %dma_start3A_518 = arith.constant 0 : i32
      %dma_start3A_519 = tpu.memref_slice %arg4[%add3A_492, %mul3A_2, %dma_start3A_518] : memref<50x4096x128xf32, #tpu.memory_space<hbm>> -> memref<1x128x128xf32, #tpu.memory_space<hbm>>
      %dma_start3A_520 = tpu.memref_squeeze %dma_start3A_519 : memref<1x128x128xf32, #tpu.memory_space<hbm>> -> memref<128x128xf32, #tpu.memory_space<hbm>>
      %dma_start3A_521 = arith.constant 0 : i32
      %dma_start3A_522 = arith.constant 0 : i32
      %dma_start3A_523 = tpu.memref_slice %arg6[%dma_start3A_507, %dma_start3A_521, %dma_start3A_522] : memref<5x128x128xf32, #tpu.memory_space<vmem>> -> memref<1x128x128xf32, #tpu.memory_space<vmem>>
      %dma_start3A_524 = tpu.memref_squeeze %dma_start3A_523 : memref<1x128x128xf32, #tpu.memory_space<vmem>> -> memref<128x128xf32, #tpu.memory_space<vmem>>
      tpu.enqueue_dma source(%dma_start3A_524 : memref<128x128xf32, #tpu.memory_space<vmem>>) target(%dma_start3A_520 : memref<128x128xf32, #tpu.memory_space<hbm>>) target_semaphore(%dma_start3A_517 : memref<!tpu.dma_semaphore, #tpu.memory_space<semaphore_mem>>)
      %dma_wait3A_525 = arith.constant 2 : i32
      %dma_wait3A_526 = arith.constant 2 : i32
      %dma_wait3A_527 = arith.constant 0 : i32
      %dma_wait3A_528 = arith.constant 0 : i32
      %dma_wait3A_529 = tpu.memref_slice %arg6[%dma_wait3A_525, %dma_wait3A_527, %dma_wait3A_528] : memref<5x128x128xf32, #tpu.memory_space<vmem>> -> memref<1x128x128xf32, #tpu.memory_space<vmem>>
      %dma_wait3A_530 = tpu.memref_squeeze %dma_wait3A_529 : memref<1x128x128xf32, #tpu.memory_space<vmem>> -> memref<128x128xf32, #tpu.memory_space<vmem>>
      %dma_wait3A_531 = arith.constant 0 : i32
      %dma_wait3A_532 = tpu.memref_slice %arg4[%add3A_492, %mul3A_2, %dma_wait3A_531] : memref<50x4096x128xf32, #tpu.memory_space<hbm>> -> memref<1x128x128xf32, #tpu.memory_space<hbm>>
      %dma_wait3A_533 = tpu.memref_squeeze %dma_wait3A_532 : memref<1x128x128xf32, #tpu.memory_space<hbm>> -> memref<128x128xf32, #tpu.memory_space<hbm>>
      %dma_wait3A_534 = tpu.memref_slice %arg9[%dma_wait3A_526] : memref<5x!tpu.dma_semaphore, #tpu.memory_space<semaphore_mem>> -> memref<1x!tpu.dma_semaphore, #tpu.memory_space<semaphore_mem>>
      %dma_wait3A_535 = tpu.memref_squeeze %dma_wait3A_534 : memref<1x!tpu.dma_semaphore, #tpu.memory_space<semaphore_mem>> -> memref<!tpu.dma_semaphore, #tpu.memory_space<semaphore_mem>>
      %dma_wait3A_536 = arith.constant 0 : i32
      %dma_wait3A_537 = tpu.memref_slice %arg4[%add3A_492, %mul3A_2, %dma_wait3A_536] : memref<50x4096x128xf32, #tpu.memory_space<hbm>> -> memref<1x128x128xf32, #tpu.memory_space<hbm>>
      %dma_wait3A_538 = tpu.memref_squeeze %dma_wait3A_537 : memref<1x128x128xf32, #tpu.memory_space<hbm>> -> memref<128x128xf32, #tpu.memory_space<hbm>>
      %dma_wait3A_539 = arith.constant 0 : i32
      %dma_wait3A_540 = arith.constant 0 : i32
      %dma_wait3A_541 = tpu.memref_slice %arg6[%dma_wait3A_525, %dma_wait3A_539, %dma_wait3A_540] : memref<5x128x128xf32, #tpu.memory_space<vmem>> -> memref<1x128x128xf32, #tpu.memory_space<vmem>>
      %dma_wait3A_542 = tpu.memref_squeeze %dma_wait3A_541 : memref<1x128x128xf32, #tpu.memory_space<vmem>> -> memref<128x128xf32, #tpu.memory_space<vmem>>
      tpu.wait_dma2 semaphore(%dma_wait3A_535 : memref<!tpu.dma_semaphore, #tpu.memory_space<semaphore_mem>>) src(%dma_wait3A_542 : memref<128x128xf32, #tpu.memory_space<vmem>>) dst(%dma_wait3A_538 : memref<128x128xf32, #tpu.memory_space<hbm>>)
      %add3A_543 = arith.constant 5 : i32
      %add3A_544 = arith.addi %add3A_492, %add3A_543 : i32
      %dma_start3A_545 = arith.constant 2 : i32
      %dma_start3A_546 = arith.constant 2 : i32
      %dma_start3A_547 = arith.constant 0 : i32
      %dma_start3A_548 = arith.constant 0 : i32
      %dma_start3A_549 = tpu.memref_slice %arg6[%dma_start3A_545, %dma_start3A_547, %dma_start3A_548] : memref<5x128x128xf32, #tpu.memory_space<vmem>> -> memref<1x128x128xf32, #tpu.memory_space<vmem>>
      %dma_start3A_550 = tpu.memref_squeeze %dma_start3A_549 : memref<1x128x128xf32, #tpu.memory_space<vmem>> -> memref<128x128xf32, #tpu.memory_space<vmem>>
      %dma_start3A_551 = arith.constant 0 : i32
      %dma_start3A_552 = tpu.memref_slice %arg5[%add3A_544, %dma_start3A_551] : memref<50x128xi32, #tpu.memory_space<vmem>> -> memref<1x128xi32, #tpu.memory_space<vmem>>
      %dma_start3A_553 = tpu.memref_squeeze %dma_start3A_552 : memref<1x128xi32, #tpu.memory_space<vmem>> -> memref<128xi32, #tpu.memory_space<vmem>>
      %dma_start3A_554 = arith.constant 0 : i32
      %dma_start3A_555 = arith.constant 0 : i32
      %dma_start3A_556 = tpu.memref_slice %arg7[%dma_start3A_554, %dma_start3A_555] : memref<1000x128xf32, #tpu.memory_space<vmem_shared>> -> memref<1000x128xf32, #tpu.memory_space<vmem_shared>>
      %dma_start3A_557 = tpu.memref_slice %arg8[%dma_start3A_546] : memref<5x!tpu.dma_semaphore, #tpu.memory_space<semaphore_mem>> -> memref<1x!tpu.dma_semaphore, #tpu.memory_space<semaphore_mem>>
      %dma_start3A_558 = tpu.memref_squeeze %dma_start3A_557 : memref<1x!tpu.dma_semaphore, #tpu.memory_space<semaphore_mem>> -> memref<!tpu.dma_semaphore, #tpu.memory_space<semaphore_mem>>
      tpu.enqueue_indirect_dma source(%dma_start3A_556 : memref<1000x128xf32, #tpu.memory_space<vmem_shared>>) target(%dma_start3A_550 : memref<128x128xf32, #tpu.memory_space<vmem>>) offsets(%dma_start3A_553 : memref<128xi32, #tpu.memory_space<vmem>>) semaphore(%dma_start3A_558 : memref<!tpu.dma_semaphore, #tpu.memory_space<semaphore_mem>>)
      %mul3A_559 = arith.constant 5 : i32
      %mul3A_560 = arith.muli %scan3A_348, %mul3A_559 : i32
      %add3A_561 = arith.constant 3 : i32
      %add3A_562 = arith.addi %mul3A_560, %add3A_561 : i32
      %dma_wait3A_563 = arith.constant 3 : i32
      %dma_wait3A_564 = arith.constant 3 : i32
      %dma_wait3A_565 = arith.constant 0 : i32
      %dma_wait3A_566 = arith.constant 0 : i32
      %dma_wait3A_567 = tpu.memref_slice %arg6[%dma_wait3A_563, %dma_wait3A_565, %dma_wait3A_566] : memref<5x128x128xf32, #tpu.memory_space<vmem>> -> memref<1x128x128xf32, #tpu.memory_space<vmem>>
      %dma_wait3A_568 = tpu.memref_squeeze %dma_wait3A_567 : memref<1x128x128xf32, #tpu.memory_space<vmem>> -> memref<128x128xf32, #tpu.memory_space<vmem>>
      %dma_wait3A_569 = arith.constant 0 : i32
      %dma_wait3A_570 = tpu.memref_slice %arg5[%add3A_562, %dma_wait3A_569] : memref<50x128xi32, #tpu.memory_space<vmem>> -> memref<1x128xi32, #tpu.memory_space<vmem>>
      %dma_wait3A_571 = tpu.memref_squeeze %dma_wait3A_570 : memref<1x128xi32, #tpu.memory_space<vmem>> -> memref<128xi32, #tpu.memory_space<vmem>>
      %dma_wait3A_572 = arith.constant 0 : i32
      %dma_wait3A_573 = arith.constant 0 : i32
      %dma_wait3A_574 = tpu.memref_slice %arg7[%dma_wait3A_572, %dma_wait3A_573] : memref<1000x128xf32, #tpu.memory_space<vmem_shared>> -> memref<1000x128xf32, #tpu.memory_space<vmem_shared>>
      %dma_wait3A_575 = tpu.memref_slice %arg8[%dma_wait3A_564] : memref<5x!tpu.dma_semaphore, #tpu.memory_space<semaphore_mem>> -> memref<1x!tpu.dma_semaphore, #tpu.memory_space<semaphore_mem>>
      %dma_wait3A_576 = tpu.memref_squeeze %dma_wait3A_575 : memref<1x!tpu.dma_semaphore, #tpu.memory_space<semaphore_mem>> -> memref<!tpu.dma_semaphore, #tpu.memory_space<semaphore_mem>>
      tpu.wait_indirect_dma semaphore(%dma_wait3A_576 : memref<!tpu.dma_semaphore, #tpu.memory_space<semaphore_mem>>) src(%dma_wait3A_574 : memref<1000x128xf32, #tpu.memory_space<vmem_shared>>) dst(%dma_wait3A_568 : memref<128x128xf32, #tpu.memory_space<vmem>>)
      %dma_start3A_577 = arith.constant 3 : i32
      %dma_start3A_578 = arith.constant 3 : i32
      %dma_start3A_579 = arith.constant 0 : i32
      %dma_start3A_580 = arith.constant 0 : i32
      %dma_start3A_581 = tpu.memref_slice %arg6[%dma_start3A_577, %dma_start3A_579, %dma_start3A_580] : memref<5x128x128xf32, #tpu.memory_space<vmem>> -> memref<1x128x128xf32, #tpu.memory_space<vmem>>
      %dma_start3A_582 = tpu.memref_squeeze %dma_start3A_581 : memref<1x128x128xf32, #tpu.memory_space<vmem>> -> memref<128x128xf32, #tpu.memory_space<vmem>>
      %dma_start3A_583 = arith.constant 0 : i32
      %dma_start3A_584 = tpu.memref_slice %arg4[%add3A_562, %mul3A_2, %dma_start3A_583] : memref<50x4096x128xf32, #tpu.memory_space<hbm>> -> memref<1x128x128xf32, #tpu.memory_space<hbm>>
      %dma_start3A_585 = tpu.memref_squeeze %dma_start3A_584 : memref<1x128x128xf32, #tpu.memory_space<hbm>> -> memref<128x128xf32, #tpu.memory_space<hbm>>
      %dma_start3A_586 = tpu.memref_slice %arg9[%dma_start3A_578] : memref<5x!tpu.dma_semaphore, #tpu.memory_space<semaphore_mem>> -> memref<1x!tpu.dma_semaphore, #tpu.memory_space<semaphore_mem>>
      %dma_start3A_587 = tpu.memref_squeeze %dma_start3A_586 : memref<1x!tpu.dma_semaphore, #tpu.memory_space<semaphore_mem>> -> memref<!tpu.dma_semaphore, #tpu.memory_space<semaphore_mem>>
      %dma_start3A_588 = arith.constant 0 : i32
      %dma_start3A_589 = tpu.memref_slice %arg4[%add3A_562, %mul3A_2, %dma_start3A_588] : memref<50x4096x128xf32, #tpu.memory_space<hbm>> -> memref<1x128x128xf32, #tpu.memory_space<hbm>>
      %dma_start3A_590 = tpu.memref_squeeze %dma_start3A_589 : memref<1x128x128xf32, #tpu.memory_space<hbm>> -> memref<128x128xf32, #tpu.memory_space<hbm>>
      %dma_start3A_591 = arith.constant 0 : i32
      %dma_start3A_592 = arith.constant 0 : i32
      %dma_start3A_593 = tpu.memref_slice %arg6[%dma_start3A_577, %dma_start3A_591, %dma_start3A_592] : memref<5x128x128xf32, #tpu.memory_space<vmem>> -> memref<1x128x128xf32, #tpu.memory_space<vmem>>
      %dma_start3A_594 = tpu.memref_squeeze %dma_start3A_593 : memref<1x128x128xf32, #tpu.memory_space<vmem>> -> memref<128x128xf32, #tpu.memory_space<vmem>>
      tpu.enqueue_dma source(%dma_start3A_594 : memref<128x128xf32, #tpu.memory_space<vmem>>) target(%dma_start3A_590 : memref<128x128xf32, #tpu.memory_space<hbm>>) target_semaphore(%dma_start3A_587 : memref<!tpu.dma_semaphore, #tpu.memory_space<semaphore_mem>>)
      %dma_wait3A_595 = arith.constant 3 : i32
      %dma_wait3A_596 = arith.constant 3 : i32
      %dma_wait3A_597 = arith.constant 0 : i32
      %dma_wait3A_598 = arith.constant 0 : i32
      %dma_wait3A_599 = tpu.memref_slice %arg6[%dma_wait3A_595, %dma_wait3A_597, %dma_wait3A_598] : memref<5x128x128xf32, #tpu.memory_space<vmem>> -> memref<1x128x128xf32, #tpu.memory_space<vmem>>
      %dma_wait3A_600 = tpu.memref_squeeze %dma_wait3A_599 : memref<1x128x128xf32, #tpu.memory_space<vmem>> -> memref<128x128xf32, #tpu.memory_space<vmem>>
      %dma_wait3A_601 = arith.constant 0 : i32
      %dma_wait3A_602 = tpu.memref_slice %arg4[%add3A_562, %mul3A_2, %dma_wait3A_601] : memref<50x4096x128xf32, #tpu.memory_space<hbm>> -> memref<1x128x128xf32, #tpu.memory_space<hbm>>
      %dma_wait3A_603 = tpu.memref_squeeze %dma_wait3A_602 : memref<1x128x128xf32, #tpu.memory_space<hbm>> -> memref<128x128xf32, #tpu.memory_space<hbm>>
      %dma_wait3A_604 = tpu.memref_slice %arg9[%dma_wait3A_596] : memref<5x!tpu.dma_semaphore, #tpu.memory_space<semaphore_mem>> -> memref<1x!tpu.dma_semaphore, #tpu.memory_space<semaphore_mem>>
      %dma_wait3A_605 = tpu.memref_squeeze %dma_wait3A_604 : memref<1x!tpu.dma_semaphore, #tpu.memory_space<semaphore_mem>> -> memref<!tpu.dma_semaphore, #tpu.memory_space<semaphore_mem>>
      %dma_wait3A_606 = arith.constant 0 : i32
      %dma_wait3A_607 = tpu.memref_slice %arg4[%add3A_562, %mul3A_2, %dma_wait3A_606] : memref<50x4096x128xf32, #tpu.memory_space<hbm>> -> memref<1x128x128xf32, #tpu.memory_space<hbm>>
      %dma_wait3A_608 = tpu.memref_squeeze %dma_wait3A_607 : memref<1x128x128xf32, #tpu.memory_space<hbm>> -> memref<128x128xf32, #tpu.memory_space<hbm>>
      %dma_wait3A_609 = arith.constant 0 : i32
      %dma_wait3A_610 = arith.constant 0 : i32
      %dma_wait3A_611 = tpu.memref_slice %arg6[%dma_wait3A_595, %dma_wait3A_609, %dma_wait3A_610] : memref<5x128x128xf32, #tpu.memory_space<vmem>> -> memref<1x128x128xf32, #tpu.memory_space<vmem>>
      %dma_wait3A_612 = tpu.memref_squeeze %dma_wait3A_611 : memref<1x128x128xf32, #tpu.memory_space<vmem>> -> memref<128x128xf32, #tpu.memory_space<vmem>>
      tpu.wait_dma2 semaphore(%dma_wait3A_605 : memref<!tpu.dma_semaphore, #tpu.memory_space<semaphore_mem>>) src(%dma_wait3A_612 : memref<128x128xf32, #tpu.memory_space<vmem>>) dst(%dma_wait3A_608 : memref<128x128xf32, #tpu.memory_space<hbm>>)
      %add3A_613 = arith.constant 5 : i32
      %add3A_614 = arith.addi %add3A_562, %add3A_613 : i32
      %dma_start3A_615 = arith.constant 3 : i32
      %dma_start3A_616 = arith.constant 3 : i32
      %dma_start3A_617 = arith.constant 0 : i32
      %dma_start3A_618 = arith.constant 0 : i32
      %dma_start3A_619 = tpu.memref_slice %arg6[%dma_start3A_615, %dma_start3A_617, %dma_start3A_618] : memref<5x128x128xf32, #tpu.memory_space<vmem>> -> memref<1x128x128xf32, #tpu.memory_space<vmem>>
      %dma_start3A_620 = tpu.memref_squeeze %dma_start3A_619 : memref<1x128x128xf32, #tpu.memory_space<vmem>> -> memref<128x128xf32, #tpu.memory_space<vmem>>
      %dma_start3A_621 = arith.constant 0 : i32
      %dma_start3A_622 = tpu.memref_slice %arg5[%add3A_614, %dma_start3A_621] : memref<50x128xi32, #tpu.memory_space<vmem>> -> memref<1x128xi32, #tpu.memory_space<vmem>>
      %dma_start3A_623 = tpu.memref_squeeze %dma_start3A_622 : memref<1x128xi32, #tpu.memory_space<vmem>> -> memref<128xi32, #tpu.memory_space<vmem>>
      %dma_start3A_624 = arith.constant 0 : i32
      %dma_start3A_625 = arith.constant 0 : i32
      %dma_start3A_626 = tpu.memref_slice %arg7[%dma_start3A_624, %dma_start3A_625] : memref<1000x128xf32, #tpu.memory_space<vmem_shared>> -> memref<1000x128xf32, #tpu.memory_space<vmem_shared>>
      %dma_start3A_627 = tpu.memref_slice %arg8[%dma_start3A_616] : memref<5x!tpu.dma_semaphore, #tpu.memory_space<semaphore_mem>> -> memref<1x!tpu.dma_semaphore, #tpu.memory_space<semaphore_mem>>
      %dma_start3A_628 = tpu.memref_squeeze %dma_start3A_627 : memref<1x!tpu.dma_semaphore, #tpu.memory_space<semaphore_mem>> -> memref<!tpu.dma_semaphore, #tpu.memory_space<semaphore_mem>>
      tpu.enqueue_indirect_dma source(%dma_start3A_626 : memref<1000x128xf32, #tpu.memory_space<vmem_shared>>) target(%dma_start3A_620 : memref<128x128xf32, #tpu.memory_space<vmem>>) offsets(%dma_start3A_623 : memref<128xi32, #tpu.memory_space<vmem>>) semaphore(%dma_start3A_628 : memref<!tpu.dma_semaphore, #tpu.memory_space<semaphore_mem>>)
      %mul3A_629 = arith.constant 5 : i32
      %mul3A_630 = arith.muli %scan3A_348, %mul3A_629 : i32
      %add3A_631 = arith.constant 4 : i32
      %add3A_632 = arith.addi %mul3A_630, %add3A_631 : i32
      %dma_wait3A_633 = arith.constant 4 : i32
      %dma_wait3A_634 = arith.constant 4 : i32
      %dma_wait3A_635 = arith.constant 0 : i32
      %dma_wait3A_636 = arith.constant 0 : i32
      %dma_wait3A_637 = tpu.memref_slice %arg6[%dma_wait3A_633, %dma_wait3A_635, %dma_wait3A_636] : memref<5x128x128xf32, #tpu.memory_space<vmem>> -> memref<1x128x128xf32, #tpu.memory_space<vmem>>
      %dma_wait3A_638 = tpu.memref_squeeze %dma_wait3A_637 : memref<1x128x128xf32, #tpu.memory_space<vmem>> -> memref<128x128xf32, #tpu.memory_space<vmem>>
      %dma_wait3A_639 = arith.constant 0 : i32
      %dma_wait3A_640 = tpu.memref_slice %arg5[%add3A_632, %dma_wait3A_639] : memref<50x128xi32, #tpu.memory_space<vmem>> -> memref<1x128xi32, #tpu.memory_space<vmem>>
      %dma_wait3A_641 = tpu.memref_squeeze %dma_wait3A_640 : memref<1x128xi32, #tpu.memory_space<vmem>> -> memref<128xi32, #tpu.memory_space<vmem>>
      %dma_wait3A_642 = arith.constant 0 : i32
      %dma_wait3A_643 = arith.constant 0 : i32
      %dma_wait3A_644 = tpu.memref_slice %arg7[%dma_wait3A_642, %dma_wait3A_643] : memref<1000x128xf32, #tpu.memory_space<vmem_shared>> -> memref<1000x128xf32, #tpu.memory_space<vmem_shared>>
      %dma_wait3A_645 = tpu.memref_slice %arg8[%dma_wait3A_634] : memref<5x!tpu.dma_semaphore, #tpu.memory_space<semaphore_mem>> -> memref<1x!tpu.dma_semaphore, #tpu.memory_space<semaphore_mem>>
      %dma_wait3A_646 = tpu.memref_squeeze %dma_wait3A_645 : memref<1x!tpu.dma_semaphore, #tpu.memory_space<semaphore_mem>> -> memref<!tpu.dma_semaphore, #tpu.memory_space<semaphore_mem>>
      tpu.wait_indirect_dma semaphore(%dma_wait3A_646 : memref<!tpu.dma_semaphore, #tpu.memory_space<semaphore_mem>>) src(%dma_wait3A_644 : memref<1000x128xf32, #tpu.memory_space<vmem_shared>>) dst(%dma_wait3A_638 : memref<128x128xf32, #tpu.memory_space<vmem>>)
      %dma_start3A_647 = arith.constant 4 : i32
      %dma_start3A_648 = arith.constant 4 : i32
      %dma_start3A_649 = arith.constant 0 : i32
      %dma_start3A_650 = arith.constant 0 : i32
      %dma_start3A_651 = tpu.memref_slice %arg6[%dma_start3A_647, %dma_start3A_649, %dma_start3A_650] : memref<5x128x128xf32, #tpu.memory_space<vmem>> -> memref<1x128x128xf32, #tpu.memory_space<vmem>>
      %dma_start3A_652 = tpu.memref_squeeze %dma_start3A_651 : memref<1x128x128xf32, #tpu.memory_space<vmem>> -> memref<128x128xf32, #tpu.memory_space<vmem>>
      %dma_start3A_653 = arith.constant 0 : i32
      %dma_start3A_654 = tpu.memref_slice %arg4[%add3A_632, %mul3A_2, %dma_start3A_653] : memref<50x4096x128xf32, #tpu.memory_space<hbm>> -> memref<1x128x128xf32, #tpu.memory_space<hbm>>
      %dma_start3A_655 = tpu.memref_squeeze %dma_start3A_654 : memref<1x128x128xf32, #tpu.memory_space<hbm>> -> memref<128x128xf32, #tpu.memory_space<hbm>>
      %dma_start3A_656 = tpu.memref_slice %arg9[%dma_start3A_648] : memref<5x!tpu.dma_semaphore, #tpu.memory_space<semaphore_mem>> -> memref<1x!tpu.dma_semaphore, #tpu.memory_space<semaphore_mem>>
      %dma_start3A_657 = tpu.memref_squeeze %dma_start3A_656 : memref<1x!tpu.dma_semaphore, #tpu.memory_space<semaphore_mem>> -> memref<!tpu.dma_semaphore, #tpu.memory_space<semaphore_mem>>
      %dma_start3A_658 = arith.constant 0 : i32
      %dma_start3A_659 = tpu.memref_slice %arg4[%add3A_632, %mul3A_2, %dma_start3A_658] : memref<50x4096x128xf32, #tpu.memory_space<hbm>> -> memref<1x128x128xf32, #tpu.memory_space<hbm>>
      %dma_start3A_660 = tpu.memref_squeeze %dma_start3A_659 : memref<1x128x128xf32, #tpu.memory_space<hbm>> -> memref<128x128xf32, #tpu.memory_space<hbm>>
      %dma_start3A_661 = arith.constant 0 : i32
      %dma_start3A_662 = arith.constant 0 : i32
      %dma_start3A_663 = tpu.memref_slice %arg6[%dma_start3A_647, %dma_start3A_661, %dma_start3A_662] : memref<5x128x128xf32, #tpu.memory_space<vmem>> -> memref<1x128x128xf32, #tpu.memory_space<vmem>>
      %dma_start3A_664 = tpu.memref_squeeze %dma_start3A_663 : memref<1x128x128xf32, #tpu.memory_space<vmem>> -> memref<128x128xf32, #tpu.memory_space<vmem>>
      tpu.enqueue_dma source(%dma_start3A_664 : memref<128x128xf32, #tpu.memory_space<vmem>>) target(%dma_start3A_660 : memref<128x128xf32, #tpu.memory_space<hbm>>) target_semaphore(%dma_start3A_657 : memref<!tpu.dma_semaphore, #tpu.memory_space<semaphore_mem>>)
      %dma_wait3A_665 = arith.constant 4 : i32
      %dma_wait3A_666 = arith.constant 4 : i32
      %dma_wait3A_667 = arith.constant 0 : i32
      %dma_wait3A_668 = arith.constant 0 : i32
      %dma_wait3A_669 = tpu.memref_slice %arg6[%dma_wait3A_665, %dma_wait3A_667, %dma_wait3A_668] : memref<5x128x128xf32, #tpu.memory_space<vmem>> -> memref<1x128x128xf32, #tpu.memory_space<vmem>>
      %dma_wait3A_670 = tpu.memref_squeeze %dma_wait3A_669 : memref<1x128x128xf32, #tpu.memory_space<vmem>> -> memref<128x128xf32, #tpu.memory_space<vmem>>
      %dma_wait3A_671 = arith.constant 0 : i32
      %dma_wait3A_672 = tpu.memref_slice %arg4[%add3A_632, %mul3A_2, %dma_wait3A_671] : memref<50x4096x128xf32, #tpu.memory_space<hbm>> -> memref<1x128x128xf32, #tpu.memory_space<hbm>>
      %dma_wait3A_673 = tpu.memref_squeeze %dma_wait3A_672 : memref<1x128x128xf32, #tpu.memory_space<hbm>> -> memref<128x128xf32, #tpu.memory_space<hbm>>
      %dma_wait3A_674 = tpu.memref_slice %arg9[%dma_wait3A_666] : memref<5x!tpu.dma_semaphore, #tpu.memory_space<semaphore_mem>> -> memref<1x!tpu.dma_semaphore, #tpu.memory_space<semaphore_mem>>
      %dma_wait3A_675 = tpu.memref_squeeze %dma_wait3A_674 : memref<1x!tpu.dma_semaphore, #tpu.memory_space<semaphore_mem>> -> memref<!tpu.dma_semaphore, #tpu.memory_space<semaphore_mem>>
      %dma_wait3A_676 = arith.constant 0 : i32
      %dma_wait3A_677 = tpu.memref_slice %arg4[%add3A_632, %mul3A_2, %dma_wait3A_676] : memref<50x4096x128xf32, #tpu.memory_space<hbm>> -> memref<1x128x128xf32, #tpu.memory_space<hbm>>
      %dma_wait3A_678 = tpu.memref_squeeze %dma_wait3A_677 : memref<1x128x128xf32, #tpu.memory_space<hbm>> -> memref<128x128xf32, #tpu.memory_space<hbm>>
      %dma_wait3A_679 = arith.constant 0 : i32
      %dma_wait3A_680 = arith.constant 0 : i32
      %dma_wait3A_681 = tpu.memref_slice %arg6[%dma_wait3A_665, %dma_wait3A_679, %dma_wait3A_680] : memref<5x128x128xf32, #tpu.memory_space<vmem>> -> memref<1x128x128xf32, #tpu.memory_space<vmem>>
      %dma_wait3A_682 = tpu.memref_squeeze %dma_wait3A_681 : memref<1x128x128xf32, #tpu.memory_space<vmem>> -> memref<128x128xf32, #tpu.memory_space<vmem>>
      tpu.wait_dma2 semaphore(%dma_wait3A_675 : memref<!tpu.dma_semaphore, #tpu.memory_space<semaphore_mem>>) src(%dma_wait3A_682 : memref<128x128xf32, #tpu.memory_space<vmem>>) dst(%dma_wait3A_678 : memref<128x128xf32, #tpu.memory_space<hbm>>)
      %add3A_683 = arith.constant 5 : i32
      %add3A_684 = arith.addi %add3A_632, %add3A_683 : i32
      %dma_start3A_685 = arith.constant 4 : i32
      %dma_start3A_686 = arith.constant 4 : i32
      %dma_start3A_687 = arith.constant 0 : i32
      %dma_start3A_688 = arith.constant 0 : i32
      %dma_start3A_689 = tpu.memref_slice %arg6[%dma_start3A_685, %dma_start3A_687, %dma_start3A_688] : memref<5x128x128xf32, #tpu.memory_space<vmem>> -> memref<1x128x128xf32, #tpu.memory_space<vmem>>
      %dma_start3A_690 = tpu.memref_squeeze %dma_start3A_689 : memref<1x128x128xf32, #tpu.memory_space<vmem>> -> memref<128x128xf32, #tpu.memory_space<vmem>>
      %dma_start3A_691 = arith.constant 0 : i32
      %dma_start3A_692 = tpu.memref_slice %arg5[%add3A_684, %dma_start3A_691] : memref<50x128xi32, #tpu.memory_space<vmem>> -> memref<1x128xi32, #tpu.memory_space<vmem>>
      %dma_start3A_693 = tpu.memref_squeeze %dma_start3A_692 : memref<1x128xi32, #tpu.memory_space<vmem>> -> memref<128xi32, #tpu.memory_space<vmem>>
      %dma_start3A_694 = arith.constant 0 : i32
      %dma_start3A_695 = arith.constant 0 : i32
      %dma_start3A_696 = tpu.memref_slice %arg7[%dma_start3A_694, %dma_start3A_695] : memref<1000x128xf32, #tpu.memory_space<vmem_shared>> -> memref<1000x128xf32, #tpu.memory_space<vmem_shared>>
      %dma_start3A_697 = tpu.memref_slice %arg8[%dma_start3A_686] : memref<5x!tpu.dma_semaphore, #tpu.memory_space<semaphore_mem>> -> memref<1x!tpu.dma_semaphore, #tpu.memory_space<semaphore_mem>>
      %dma_start3A_698 = tpu.memref_squeeze %dma_start3A_697 : memref<1x!tpu.dma_semaphore, #tpu.memory_space<semaphore_mem>> -> memref<!tpu.dma_semaphore, #tpu.memory_space<semaphore_mem>>
      tpu.enqueue_indirect_dma source(%dma_start3A_696 : memref<1000x128xf32, #tpu.memory_space<vmem_shared>>) target(%dma_start3A_690 : memref<128x128xf32, #tpu.memory_space<vmem>>) offsets(%dma_start3A_693 : memref<128xi32, #tpu.memory_space<vmem>>) semaphore(%dma_start3A_698 : memref<!tpu.dma_semaphore, #tpu.memory_space<semaphore_mem>>)
    }
    %scan3A_83 = arith.constant 9 : i32
    %dma_wait3A = arith.constant 45 : i32
    %dma_wait3A_84 = arith.constant 0 : i32
    %dma_wait3A_85 = arith.constant 0 : i32
    %dma_wait3A_86 = arith.constant 0 : i32
    %dma_wait3A_87 = arith.constant 0 : i32
    %dma_wait3A_88 = tpu.memref_slice %arg6[%dma_wait3A_84, %dma_wait3A_86, %dma_wait3A_87] : memref<5x128x128xf32, #tpu.memory_space<vmem>> -> memref<1x128x128xf32, #tpu.memory_space<vmem>>
    %dma_wait3A_89 = tpu.memref_squeeze %dma_wait3A_88 : memref<1x128x128xf32, #tpu.memory_space<vmem>> -> memref<128x128xf32, #tpu.memory_space<vmem>>
    %dma_wait3A_90 = arith.constant 0 : i32
    %dma_wait3A_91 = tpu.memref_slice %arg5[%dma_wait3A, %dma_wait3A_90] : memref<50x128xi32, #tpu.memory_space<vmem>> -> memref<1x128xi32, #tpu.memory_space<vmem>>
    %dma_wait3A_92 = tpu.memref_squeeze %dma_wait3A_91 : memref<1x128xi32, #tpu.memory_space<vmem>> -> memref<128xi32, #tpu.memory_space<vmem>>
    %dma_wait3A_93 = arith.constant 0 : i32
    %dma_wait3A_94 = arith.constant 0 : i32
    %dma_wait3A_95 = tpu.memref_slice %arg7[%dma_wait3A_93, %dma_wait3A_94] : memref<1000x128xf32, #tpu.memory_space<vmem_shared>> -> memref<1000x128xf32, #tpu.memory_space<vmem_shared>>
    %dma_wait3A_96 = tpu.memref_slice %arg8[%dma_wait3A_85] : memref<5x!tpu.dma_semaphore, #tpu.memory_space<semaphore_mem>> -> memref<1x!tpu.dma_semaphore, #tpu.memory_space<semaphore_mem>>
    %dma_wait3A_97 = tpu.memref_squeeze %dma_wait3A_96 : memref<1x!tpu.dma_semaphore, #tpu.memory_space<semaphore_mem>> -> memref<!tpu.dma_semaphore, #tpu.memory_space<semaphore_mem>>
    tpu.wait_indirect_dma semaphore(%dma_wait3A_97 : memref<!tpu.dma_semaphore, #tpu.memory_space<semaphore_mem>>) src(%dma_wait3A_95 : memref<1000x128xf32, #tpu.memory_space<vmem_shared>>) dst(%dma_wait3A_89 : memref<128x128xf32, #tpu.memory_space<vmem>>)
    %dma_start3A_98 = arith.constant 0 : i32
    %dma_start3A_99 = arith.constant 45 : i32
    %dma_start3A_100 = arith.constant 0 : i32
    %dma_start3A_101 = arith.constant 0 : i32
    %dma_start3A_102 = arith.constant 0 : i32
    %dma_start3A_103 = tpu.memref_slice %arg6[%dma_start3A_98, %dma_start3A_101, %dma_start3A_102] : memref<5x128x128xf32, #tpu.memory_space<vmem>> -> memref<1x128x128xf32, #tpu.memory_space<vmem>>
    %dma_start3A_104 = tpu.memref_squeeze %dma_start3A_103 : memref<1x128x128xf32, #tpu.memory_space<vmem>> -> memref<128x128xf32, #tpu.memory_space<vmem>>
    %dma_start3A_105 = arith.constant 0 : i32
    %dma_start3A_106 = tpu.memref_slice %arg4[%dma_start3A_99, %mul3A_2, %dma_start3A_105] : memref<50x4096x128xf32, #tpu.memory_space<hbm>> -> memref<1x128x128xf32, #tpu.memory_space<hbm>>
    %dma_start3A_107 = tpu.memref_squeeze %dma_start3A_106 : memref<1x128x128xf32, #tpu.memory_space<hbm>> -> memref<128x128xf32, #tpu.memory_space<hbm>>
    %dma_start3A_108 = tpu.memref_slice %arg9[%dma_start3A_100] : memref<5x!tpu.dma_semaphore, #tpu.memory_space<semaphore_mem>> -> memref<1x!tpu.dma_semaphore, #tpu.memory_space<semaphore_mem>>
    %dma_start3A_109 = tpu.memref_squeeze %dma_start3A_108 : memref<1x!tpu.dma_semaphore, #tpu.memory_space<semaphore_mem>> -> memref<!tpu.dma_semaphore, #tpu.memory_space<semaphore_mem>>
    %dma_start3A_110 = arith.constant 0 : i32
    %dma_start3A_111 = tpu.memref_slice %arg4[%dma_start3A_99, %mul3A_2, %dma_start3A_110] : memref<50x4096x128xf32, #tpu.memory_space<hbm>> -> memref<1x128x128xf32, #tpu.memory_space<hbm>>
    %dma_start3A_112 = tpu.memref_squeeze %dma_start3A_111 : memref<1x128x128xf32, #tpu.memory_space<hbm>> -> memref<128x128xf32, #tpu.memory_space<hbm>>
    %dma_start3A_113 = arith.constant 0 : i32
    %dma_start3A_114 = arith.constant 0 : i32
    %dma_start3A_115 = tpu.memref_slice %arg6[%dma_start3A_98, %dma_start3A_113, %dma_start3A_114] : memref<5x128x128xf32, #tpu.memory_space<vmem>> -> memref<1x128x128xf32, #tpu.memory_space<vmem>>
    %dma_start3A_116 = tpu.memref_squeeze %dma_start3A_115 : memref<1x128x128xf32, #tpu.memory_space<vmem>> -> memref<128x128xf32, #tpu.memory_space<vmem>>
    tpu.enqueue_dma source(%dma_start3A_116 : memref<128x128xf32, #tpu.memory_space<vmem>>) target(%dma_start3A_112 : memref<128x128xf32, #tpu.memory_space<hbm>>) target_semaphore(%dma_start3A_109 : memref<!tpu.dma_semaphore, #tpu.memory_space<semaphore_mem>>)
    %dma_wait3A_117 = arith.constant 0 : i32
    %dma_wait3A_118 = arith.constant 45 : i32
    %dma_wait3A_119 = arith.constant 0 : i32
    %dma_wait3A_120 = arith.constant 0 : i32
    %dma_wait3A_121 = arith.constant 0 : i32
    %dma_wait3A_122 = tpu.memref_slice %arg6[%dma_wait3A_117, %dma_wait3A_120, %dma_wait3A_121] : memref<5x128x128xf32, #tpu.memory_space<vmem>> -> memref<1x128x128xf32, #tpu.memory_space<vmem>>
    %dma_wait3A_123 = tpu.memref_squeeze %dma_wait3A_122 : memref<1x128x128xf32, #tpu.memory_space<vmem>> -> memref<128x128xf32, #tpu.memory_space<vmem>>
    %dma_wait3A_124 = arith.constant 0 : i32
    %dma_wait3A_125 = tpu.memref_slice %arg4[%dma_wait3A_118, %mul3A_2, %dma_wait3A_124] : memref<50x4096x128xf32, #tpu.memory_space<hbm>> -> memref<1x128x128xf32, #tpu.memory_space<hbm>>
    %dma_wait3A_126 = tpu.memref_squeeze %dma_wait3A_125 : memref<1x128x128xf32, #tpu.memory_space<hbm>> -> memref<128x128xf32, #tpu.memory_space<hbm>>
    %dma_wait3A_127 = tpu.memref_slice %arg9[%dma_wait3A_119] : memref<5x!tpu.dma_semaphore, #tpu.memory_space<semaphore_mem>> -> memref<1x!tpu.dma_semaphore, #tpu.memory_space<semaphore_mem>>
    %dma_wait3A_128 = tpu.memref_squeeze %dma_wait3A_127 : memref<1x!tpu.dma_semaphore, #tpu.memory_space<semaphore_mem>> -> memref<!tpu.dma_semaphore, #tpu.memory_space<semaphore_mem>>
    %dma_wait3A_129 = arith.constant 0 : i32
    %dma_wait3A_130 = tpu.memref_slice %arg4[%dma_wait3A_118, %mul3A_2, %dma_wait3A_129] : memref<50x4096x128xf32, #tpu.memory_space<hbm>> -> memref<1x128x128xf32, #tpu.memory_space<hbm>>
    %dma_wait3A_131 = tpu.memref_squeeze %dma_wait3A_130 : memref<1x128x128xf32, #tpu.memory_space<hbm>> -> memref<128x128xf32, #tpu.memory_space<hbm>>
    %dma_wait3A_132 = arith.constant 0 : i32
    %dma_wait3A_133 = arith.constant 0 : i32
    %dma_wait3A_134 = tpu.memref_slice %arg6[%dma_wait3A_117, %dma_wait3A_132, %dma_wait3A_133] : memref<5x128x128xf32, #tpu.memory_space<vmem>> -> memref<1x128x128xf32, #tpu.memory_space<vmem>>
    %dma_wait3A_135 = tpu.memref_squeeze %dma_wait3A_134 : memref<1x128x128xf32, #tpu.memory_space<vmem>> -> memref<128x128xf32, #tpu.memory_space<vmem>>
    tpu.wait_dma2 semaphore(%dma_wait3A_128 : memref<!tpu.dma_semaphore, #tpu.memory_space<semaphore_mem>>) src(%dma_wait3A_135 : memref<128x128xf32, #tpu.memory_space<vmem>>) dst(%dma_wait3A_131 : memref<128x128xf32, #tpu.memory_space<hbm>>)
    %dma_wait3A_136 = arith.constant 46 : i32
    %dma_wait3A_137 = arith.constant 1 : i32
    %dma_wait3A_138 = arith.constant 1 : i32
    %dma_wait3A_139 = arith.constant 0 : i32
    %dma_wait3A_140 = arith.constant 0 : i32
    %dma_wait3A_141 = tpu.memref_slice %arg6[%dma_wait3A_137, %dma_wait3A_139, %dma_wait3A_140] : memref<5x128x128xf32, #tpu.memory_space<vmem>> -> memref<1x128x128xf32, #tpu.memory_space<vmem>>
    %dma_wait3A_142 = tpu.memref_squeeze %dma_wait3A_141 : memref<1x128x128xf32, #tpu.memory_space<vmem>> -> memref<128x128xf32, #tpu.memory_space<vmem>>
    %dma_wait3A_143 = arith.constant 0 : i32
    %dma_wait3A_144 = tpu.memref_slice %arg5[%dma_wait3A_136, %dma_wait3A_143] : memref<50x128xi32, #tpu.memory_space<vmem>> -> memref<1x128xi32, #tpu.memory_space<vmem>>
    %dma_wait3A_145 = tpu.memref_squeeze %dma_wait3A_144 : memref<1x128xi32, #tpu.memory_space<vmem>> -> memref<128xi32, #tpu.memory_space<vmem>>
    %dma_wait3A_146 = arith.constant 0 : i32
    %dma_wait3A_147 = arith.constant 0 : i32
    %dma_wait3A_148 = tpu.memref_slice %arg7[%dma_wait3A_146, %dma_wait3A_147] : memref<1000x128xf32, #tpu.memory_space<vmem_shared>> -> memref<1000x128xf32, #tpu.memory_space<vmem_shared>>
    %dma_wait3A_149 = tpu.memref_slice %arg8[%dma_wait3A_138] : memref<5x!tpu.dma_semaphore, #tpu.memory_space<semaphore_mem>> -> memref<1x!tpu.dma_semaphore, #tpu.memory_space<semaphore_mem>>
    %dma_wait3A_150 = tpu.memref_squeeze %dma_wait3A_149 : memref<1x!tpu.dma_semaphore, #tpu.memory_space<semaphore_mem>> -> memref<!tpu.dma_semaphore, #tpu.memory_space<semaphore_mem>>
    tpu.wait_indirect_dma semaphore(%dma_wait3A_150 : memref<!tpu.dma_semaphore, #tpu.memory_space<semaphore_mem>>) src(%dma_wait3A_148 : memref<1000x128xf32, #tpu.memory_space<vmem_shared>>) dst(%dma_wait3A_142 : memref<128x128xf32, #tpu.memory_space<vmem>>)
    %dma_start3A_151 = arith.constant 1 : i32
    %dma_start3A_152 = arith.constant 46 : i32
    %dma_start3A_153 = arith.constant 1 : i32
    %dma_start3A_154 = arith.constant 0 : i32
    %dma_start3A_155 = arith.constant 0 : i32
    %dma_start3A_156 = tpu.memref_slice %arg6[%dma_start3A_151, %dma_start3A_154, %dma_start3A_155] : memref<5x128x128xf32, #tpu.memory_space<vmem>> -> memref<1x128x128xf32, #tpu.memory_space<vmem>>
    %dma_start3A_157 = tpu.memref_squeeze %dma_start3A_156 : memref<1x128x128xf32, #tpu.memory_space<vmem>> -> memref<128x128xf32, #tpu.memory_space<vmem>>
    %dma_start3A_158 = arith.constant 0 : i32
    %dma_start3A_159 = tpu.memref_slice %arg4[%dma_start3A_152, %mul3A_2, %dma_start3A_158] : memref<50x4096x128xf32, #tpu.memory_space<hbm>> -> memref<1x128x128xf32, #tpu.memory_space<hbm>>
    %dma_start3A_160 = tpu.memref_squeeze %dma_start3A_159 : memref<1x128x128xf32, #tpu.memory_space<hbm>> -> memref<128x128xf32, #tpu.memory_space<hbm>>
    %dma_start3A_161 = tpu.memref_slice %arg9[%dma_start3A_153] : memref<5x!tpu.dma_semaphore, #tpu.memory_space<semaphore_mem>> -> memref<1x!tpu.dma_semaphore, #tpu.memory_space<semaphore_mem>>
    %dma_start3A_162 = tpu.memref_squeeze %dma_start3A_161 : memref<1x!tpu.dma_semaphore, #tpu.memory_space<semaphore_mem>> -> memref<!tpu.dma_semaphore, #tpu.memory_space<semaphore_mem>>
    %dma_start3A_163 = arith.constant 0 : i32
    %dma_start3A_164 = tpu.memref_slice %arg4[%dma_start3A_152, %mul3A_2, %dma_start3A_163] : memref<50x4096x128xf32, #tpu.memory_space<hbm>> -> memref<1x128x128xf32, #tpu.memory_space<hbm>>
    %dma_start3A_165 = tpu.memref_squeeze %dma_start3A_164 : memref<1x128x128xf32, #tpu.memory_space<hbm>> -> memref<128x128xf32, #tpu.memory_space<hbm>>
    %dma_start3A_166 = arith.constant 0 : i32
    %dma_start3A_167 = arith.constant 0 : i32
    %dma_start3A_168 = tpu.memref_slice %arg6[%dma_start3A_151, %dma_start3A_166, %dma_start3A_167] : memref<5x128x128xf32, #tpu.memory_space<vmem>> -> memref<1x128x128xf32, #tpu.memory_space<vmem>>
    %dma_start3A_169 = tpu.memref_squeeze %dma_start3A_168 : memref<1x128x128xf32, #tpu.memory_space<vmem>> -> memref<128x128xf32, #tpu.memory_space<vmem>>
    tpu.enqueue_dma source(%dma_start3A_169 : memref<128x128xf32, #tpu.memory_space<vmem>>) target(%dma_start3A_165 : memref<128x128xf32, #tpu.memory_space<hbm>>) target_semaphore(%dma_start3A_162 : memref<!tpu.dma_semaphore, #tpu.memory_space<semaphore_mem>>)
    %dma_wait3A_170 = arith.constant 1 : i32
    %dma_wait3A_171 = arith.constant 46 : i32
    %dma_wait3A_172 = arith.constant 1 : i32
    %dma_wait3A_173 = arith.constant 0 : i32
    %dma_wait3A_174 = arith.constant 0 : i32
    %dma_wait3A_175 = tpu.memref_slice %arg6[%dma_wait3A_170, %dma_wait3A_173, %dma_wait3A_174] : memref<5x128x128xf32, #tpu.memory_space<vmem>> -> memref<1x128x128xf32, #tpu.memory_space<vmem>>
    %dma_wait3A_176 = tpu.memref_squeeze %dma_wait3A_175 : memref<1x128x128xf32, #tpu.memory_space<vmem>> -> memref<128x128xf32, #tpu.memory_space<vmem>>
    %dma_wait3A_177 = arith.constant 0 : i32
    %dma_wait3A_178 = tpu.memref_slice %arg4[%dma_wait3A_171, %mul3A_2, %dma_wait3A_177] : memref<50x4096x128xf32, #tpu.memory_space<hbm>> -> memref<1x128x128xf32, #tpu.memory_space<hbm>>
    %dma_wait3A_179 = tpu.memref_squeeze %dma_wait3A_178 : memref<1x128x128xf32, #tpu.memory_space<hbm>> -> memref<128x128xf32, #tpu.memory_space<hbm>>
    %dma_wait3A_180 = tpu.memref_slice %arg9[%dma_wait3A_172] : memref<5x!tpu.dma_semaphore, #tpu.memory_space<semaphore_mem>> -> memref<1x!tpu.dma_semaphore, #tpu.memory_space<semaphore_mem>>
    %dma_wait3A_181 = tpu.memref_squeeze %dma_wait3A_180 : memref<1x!tpu.dma_semaphore, #tpu.memory_space<semaphore_mem>> -> memref<!tpu.dma_semaphore, #tpu.memory_space<semaphore_mem>>
    %dma_wait3A_182 = arith.constant 0 : i32
    %dma_wait3A_183 = tpu.memref_slice %arg4[%dma_wait3A_171, %mul3A_2, %dma_wait3A_182] : memref<50x4096x128xf32, #tpu.memory_space<hbm>> -> memref<1x128x128xf32, #tpu.memory_space<hbm>>
    %dma_wait3A_184 = tpu.memref_squeeze %dma_wait3A_183 : memref<1x128x128xf32, #tpu.memory_space<hbm>> -> memref<128x128xf32, #tpu.memory_space<hbm>>
    %dma_wait3A_185 = arith.constant 0 : i32
    %dma_wait3A_186 = arith.constant 0 : i32
    %dma_wait3A_187 = tpu.memref_slice %arg6[%dma_wait3A_170, %dma_wait3A_185, %dma_wait3A_186] : memref<5x128x128xf32, #tpu.memory_space<vmem>> -> memref<1x128x128xf32, #tpu.memory_space<vmem>>
    %dma_wait3A_188 = tpu.memref_squeeze %dma_wait3A_187 : memref<1x128x128xf32, #tpu.memory_space<vmem>> -> memref<128x128xf32, #tpu.memory_space<vmem>>
    tpu.wait_dma2 semaphore(%dma_wait3A_181 : memref<!tpu.dma_semaphore, #tpu.memory_space<semaphore_mem>>) src(%dma_wait3A_188 : memref<128x128xf32, #tpu.memory_space<vmem>>) dst(%dma_wait3A_184 : memref<128x128xf32, #tpu.memory_space<hbm>>)
    %dma_wait3A_189 = arith.constant 47 : i32
    %dma_wait3A_190 = arith.constant 2 : i32
    %dma_wait3A_191 = arith.constant 2 : i32
    %dma_wait3A_192 = arith.constant 0 : i32
    %dma_wait3A_193 = arith.constant 0 : i32
    %dma_wait3A_194 = tpu.memref_slice %arg6[%dma_wait3A_190, %dma_wait3A_192, %dma_wait3A_193] : memref<5x128x128xf32, #tpu.memory_space<vmem>> -> memref<1x128x128xf32, #tpu.memory_space<vmem>>
    %dma_wait3A_195 = tpu.memref_squeeze %dma_wait3A_194 : memref<1x128x128xf32, #tpu.memory_space<vmem>> -> memref<128x128xf32, #tpu.memory_space<vmem>>
    %dma_wait3A_196 = arith.constant 0 : i32
    %dma_wait3A_197 = tpu.memref_slice %arg5[%dma_wait3A_189, %dma_wait3A_196] : memref<50x128xi32, #tpu.memory_space<vmem>> -> memref<1x128xi32, #tpu.memory_space<vmem>>
    %dma_wait3A_198 = tpu.memref_squeeze %dma_wait3A_197 : memref<1x128xi32, #tpu.memory_space<vmem>> -> memref<128xi32, #tpu.memory_space<vmem>>
    %dma_wait3A_199 = arith.constant 0 : i32
    %dma_wait3A_200 = arith.constant 0 : i32
    %dma_wait3A_201 = tpu.memref_slice %arg7[%dma_wait3A_199, %dma_wait3A_200] : memref<1000x128xf32, #tpu.memory_space<vmem_shared>> -> memref<1000x128xf32, #tpu.memory_space<vmem_shared>>
    %dma_wait3A_202 = tpu.memref_slice %arg8[%dma_wait3A_191] : memref<5x!tpu.dma_semaphore, #tpu.memory_space<semaphore_mem>> -> memref<1x!tpu.dma_semaphore, #tpu.memory_space<semaphore_mem>>
    %dma_wait3A_203 = tpu.memref_squeeze %dma_wait3A_202 : memref<1x!tpu.dma_semaphore, #tpu.memory_space<semaphore_mem>> -> memref<!tpu.dma_semaphore, #tpu.memory_space<semaphore_mem>>
    tpu.wait_indirect_dma semaphore(%dma_wait3A_203 : memref<!tpu.dma_semaphore, #tpu.memory_space<semaphore_mem>>) src(%dma_wait3A_201 : memref<1000x128xf32, #tpu.memory_space<vmem_shared>>) dst(%dma_wait3A_195 : memref<128x128xf32, #tpu.memory_space<vmem>>)
    %dma_start3A_204 = arith.constant 2 : i32
    %dma_start3A_205 = arith.constant 47 : i32
    %dma_start3A_206 = arith.constant 2 : i32
    %dma_start3A_207 = arith.constant 0 : i32
    %dma_start3A_208 = arith.constant 0 : i32
    %dma_start3A_209 = tpu.memref_slice %arg6[%dma_start3A_204, %dma_start3A_207, %dma_start3A_208] : memref<5x128x128xf32, #tpu.memory_space<vmem>> -> memref<1x128x128xf32, #tpu.memory_space<vmem>>
    %dma_start3A_210 = tpu.memref_squeeze %dma_start3A_209 : memref<1x128x128xf32, #tpu.memory_space<vmem>> -> memref<128x128xf32, #tpu.memory_space<vmem>>
    %dma_start3A_211 = arith.constant 0 : i32
    %dma_start3A_212 = tpu.memref_slice %arg4[%dma_start3A_205, %mul3A_2, %dma_start3A_211] : memref<50x4096x128xf32, #tpu.memory_space<hbm>> -> memref<1x128x128xf32, #tpu.memory_space<hbm>>
    %dma_start3A_213 = tpu.memref_squeeze %dma_start3A_212 : memref<1x128x128xf32, #tpu.memory_space<hbm>> -> memref<128x128xf32, #tpu.memory_space<hbm>>
    %dma_start3A_214 = tpu.memref_slice %arg9[%dma_start3A_206] : memref<5x!tpu.dma_semaphore, #tpu.memory_space<semaphore_mem>> -> memref<1x!tpu.dma_semaphore, #tpu.memory_space<semaphore_mem>>
    %dma_start3A_215 = tpu.memref_squeeze %dma_start3A_214 : memref<1x!tpu.dma_semaphore, #tpu.memory_space<semaphore_mem>> -> memref<!tpu.dma_semaphore, #tpu.memory_space<semaphore_mem>>
    %dma_start3A_216 = arith.constant 0 : i32
    %dma_start3A_217 = tpu.memref_slice %arg4[%dma_start3A_205, %mul3A_2, %dma_start3A_216] : memref<50x4096x128xf32, #tpu.memory_space<hbm>> -> memref<1x128x128xf32, #tpu.memory_space<hbm>>
    %dma_start3A_218 = tpu.memref_squeeze %dma_start3A_217 : memref<1x128x128xf32, #tpu.memory_space<hbm>> -> memref<128x128xf32, #tpu.memory_space<hbm>>
    %dma_start3A_219 = arith.constant 0 : i32
    %dma_start3A_220 = arith.constant 0 : i32
    %dma_start3A_221 = tpu.memref_slice %arg6[%dma_start3A_204, %dma_start3A_219, %dma_start3A_220] : memref<5x128x128xf32, #tpu.memory_space<vmem>> -> memref<1x128x128xf32, #tpu.memory_space<vmem>>
    %dma_start3A_222 = tpu.memref_squeeze %dma_start3A_221 : memref<1x128x128xf32, #tpu.memory_space<vmem>> -> memref<128x128xf32, #tpu.memory_space<vmem>>
    tpu.enqueue_dma source(%dma_start3A_222 : memref<128x128xf32, #tpu.memory_space<vmem>>) target(%dma_start3A_218 : memref<128x128xf32, #tpu.memory_space<hbm>>) target_semaphore(%dma_start3A_215 : memref<!tpu.dma_semaphore, #tpu.memory_space<semaphore_mem>>)
    %dma_wait3A_223 = arith.constant 2 : i32
    %dma_wait3A_224 = arith.constant 47 : i32
    %dma_wait3A_225 = arith.constant 2 : i32
    %dma_wait3A_226 = arith.constant 0 : i32
    %dma_wait3A_227 = arith.constant 0 : i32
    %dma_wait3A_228 = tpu.memref_slice %arg6[%dma_wait3A_223, %dma_wait3A_226, %dma_wait3A_227] : memref<5x128x128xf32, #tpu.memory_space<vmem>> -> memref<1x128x128xf32, #tpu.memory_space<vmem>>
    %dma_wait3A_229 = tpu.memref_squeeze %dma_wait3A_228 : memref<1x128x128xf32, #tpu.memory_space<vmem>> -> memref<128x128xf32, #tpu.memory_space<vmem>>
    %dma_wait3A_230 = arith.constant 0 : i32
    %dma_wait3A_231 = tpu.memref_slice %arg4[%dma_wait3A_224, %mul3A_2, %dma_wait3A_230] : memref<50x4096x128xf32, #tpu.memory_space<hbm>> -> memref<1x128x128xf32, #tpu.memory_space<hbm>>
    %dma_wait3A_232 = tpu.memref_squeeze %dma_wait3A_231 : memref<1x128x128xf32, #tpu.memory_space<hbm>> -> memref<128x128xf32, #tpu.memory_space<hbm>>
    %dma_wait3A_233 = tpu.memref_slice %arg9[%dma_wait3A_225] : memref<5x!tpu.dma_semaphore, #tpu.memory_space<semaphore_mem>> -> memref<1x!tpu.dma_semaphore, #tpu.memory_space<semaphore_mem>>
    %dma_wait3A_234 = tpu.memref_squeeze %dma_wait3A_233 : memref<1x!tpu.dma_semaphore, #tpu.memory_space<semaphore_mem>> -> memref<!tpu.dma_semaphore, #tpu.memory_space<semaphore_mem>>
    %dma_wait3A_235 = arith.constant 0 : i32
    %dma_wait3A_236 = tpu.memref_slice %arg4[%dma_wait3A_224, %mul3A_2, %dma_wait3A_235] : memref<50x4096x128xf32, #tpu.memory_space<hbm>> -> memref<1x128x128xf32, #tpu.memory_space<hbm>>
    %dma_wait3A_237 = tpu.memref_squeeze %dma_wait3A_236 : memref<1x128x128xf32, #tpu.memory_space<hbm>> -> memref<128x128xf32, #tpu.memory_space<hbm>>
    %dma_wait3A_238 = arith.constant 0 : i32
    %dma_wait3A_239 = arith.constant 0 : i32
    %dma_wait3A_240 = tpu.memref_slice %arg6[%dma_wait3A_223, %dma_wait3A_238, %dma_wait3A_239] : memref<5x128x128xf32, #tpu.memory_space<vmem>> -> memref<1x128x128xf32, #tpu.memory_space<vmem>>
    %dma_wait3A_241 = tpu.memref_squeeze %dma_wait3A_240 : memref<1x128x128xf32, #tpu.memory_space<vmem>> -> memref<128x128xf32, #tpu.memory_space<vmem>>
    tpu.wait_dma2 semaphore(%dma_wait3A_234 : memref<!tpu.dma_semaphore, #tpu.memory_space<semaphore_mem>>) src(%dma_wait3A_241 : memref<128x128xf32, #tpu.memory_space<vmem>>) dst(%dma_wait3A_237 : memref<128x128xf32, #tpu.memory_space<hbm>>)
    %dma_wait3A_242 = arith.constant 48 : i32
    %dma_wait3A_243 = arith.constant 3 : i32
    %dma_wait3A_244 = arith.constant 3 : i32
    %dma_wait3A_245 = arith.constant 0 : i32
    %dma_wait3A_246 = arith.constant 0 : i32
    %dma_wait3A_247 = tpu.memref_slice %arg6[%dma_wait3A_243, %dma_wait3A_245, %dma_wait3A_246] : memref<5x128x128xf32, #tpu.memory_space<vmem>> -> memref<1x128x128xf32, #tpu.memory_space<vmem>>
    %dma_wait3A_248 = tpu.memref_squeeze %dma_wait3A_247 : memref<1x128x128xf32, #tpu.memory_space<vmem>> -> memref<128x128xf32, #tpu.memory_space<vmem>>
    %dma_wait3A_249 = arith.constant 0 : i32
    %dma_wait3A_250 = tpu.memref_slice %arg5[%dma_wait3A_242, %dma_wait3A_249] : memref<50x128xi32, #tpu.memory_space<vmem>> -> memref<1x128xi32, #tpu.memory_space<vmem>>
    %dma_wait3A_251 = tpu.memref_squeeze %dma_wait3A_250 : memref<1x128xi32, #tpu.memory_space<vmem>> -> memref<128xi32, #tpu.memory_space<vmem>>
    %dma_wait3A_252 = arith.constant 0 : i32
    %dma_wait3A_253 = arith.constant 0 : i32
    %dma_wait3A_254 = tpu.memref_slice %arg7[%dma_wait3A_252, %dma_wait3A_253] : memref<1000x128xf32, #tpu.memory_space<vmem_shared>> -> memref<1000x128xf32, #tpu.memory_space<vmem_shared>>
    %dma_wait3A_255 = tpu.memref_slice %arg8[%dma_wait3A_244] : memref<5x!tpu.dma_semaphore, #tpu.memory_space<semaphore_mem>> -> memref<1x!tpu.dma_semaphore, #tpu.memory_space<semaphore_mem>>
    %dma_wait3A_256 = tpu.memref_squeeze %dma_wait3A_255 : memref<1x!tpu.dma_semaphore, #tpu.memory_space<semaphore_mem>> -> memref<!tpu.dma_semaphore, #tpu.memory_space<semaphore_mem>>
    tpu.wait_indirect_dma semaphore(%dma_wait3A_256 : memref<!tpu.dma_semaphore, #tpu.memory_space<semaphore_mem>>) src(%dma_wait3A_254 : memref<1000x128xf32, #tpu.memory_space<vmem_shared>>) dst(%dma_wait3A_248 : memref<128x128xf32, #tpu.memory_space<vmem>>)
    %dma_start3A_257 = arith.constant 3 : i32
    %dma_start3A_258 = arith.constant 48 : i32
    %dma_start3A_259 = arith.constant 3 : i32
    %dma_start3A_260 = arith.constant 0 : i32
    %dma_start3A_261 = arith.constant 0 : i32
    %dma_start3A_262 = tpu.memref_slice %arg6[%dma_start3A_257, %dma_start3A_260, %dma_start3A_261] : memref<5x128x128xf32, #tpu.memory_space<vmem>> -> memref<1x128x128xf32, #tpu.memory_space<vmem>>
    %dma_start3A_263 = tpu.memref_squeeze %dma_start3A_262 : memref<1x128x128xf32, #tpu.memory_space<vmem>> -> memref<128x128xf32, #tpu.memory_space<vmem>>
    %dma_start3A_264 = arith.constant 0 : i32
    %dma_start3A_265 = tpu.memref_slice %arg4[%dma_start3A_258, %mul3A_2, %dma_start3A_264] : memref<50x4096x128xf32, #tpu.memory_space<hbm>> -> memref<1x128x128xf32, #tpu.memory_space<hbm>>
    %dma_start3A_266 = tpu.memref_squeeze %dma_start3A_265 : memref<1x128x128xf32, #tpu.memory_space<hbm>> -> memref<128x128xf32, #tpu.memory_space<hbm>>
    %dma_start3A_267 = tpu.memref_slice %arg9[%dma_start3A_259] : memref<5x!tpu.dma_semaphore, #tpu.memory_space<semaphore_mem>> -> memref<1x!tpu.dma_semaphore, #tpu.memory_space<semaphore_mem>>
    %dma_start3A_268 = tpu.memref_squeeze %dma_start3A_267 : memref<1x!tpu.dma_semaphore, #tpu.memory_space<semaphore_mem>> -> memref<!tpu.dma_semaphore, #tpu.memory_space<semaphore_mem>>
    %dma_start3A_269 = arith.constant 0 : i32
    %dma_start3A_270 = tpu.memref_slice %arg4[%dma_start3A_258, %mul3A_2, %dma_start3A_269] : memref<50x4096x128xf32, #tpu.memory_space<hbm>> -> memref<1x128x128xf32, #tpu.memory_space<hbm>>
    %dma_start3A_271 = tpu.memref_squeeze %dma_start3A_270 : memref<1x128x128xf32, #tpu.memory_space<hbm>> -> memref<128x128xf32, #tpu.memory_space<hbm>>
    %dma_start3A_272 = arith.constant 0 : i32
    %dma_start3A_273 = arith.constant 0 : i32
    %dma_start3A_274 = tpu.memref_slice %arg6[%dma_start3A_257, %dma_start3A_272, %dma_start3A_273] : memref<5x128x128xf32, #tpu.memory_space<vmem>> -> memref<1x128x128xf32, #tpu.memory_space<vmem>>
    %dma_start3A_275 = tpu.memref_squeeze %dma_start3A_274 : memref<1x128x128xf32, #tpu.memory_space<vmem>> -> memref<128x128xf32, #tpu.memory_space<vmem>>
    tpu.enqueue_dma source(%dma_start3A_275 : memref<128x128xf32, #tpu.memory_space<vmem>>) target(%dma_start3A_271 : memref<128x128xf32, #tpu.memory_space<hbm>>) target_semaphore(%dma_start3A_268 : memref<!tpu.dma_semaphore, #tpu.memory_space<semaphore_mem>>)
    %dma_wait3A_276 = arith.constant 3 : i32
    %dma_wait3A_277 = arith.constant 48 : i32
    %dma_wait3A_278 = arith.constant 3 : i32
    %dma_wait3A_279 = arith.constant 0 : i32
    %dma_wait3A_280 = arith.constant 0 : i32
    %dma_wait3A_281 = tpu.memref_slice %arg6[%dma_wait3A_276, %dma_wait3A_279, %dma_wait3A_280] : memref<5x128x128xf32, #tpu.memory_space<vmem>> -> memref<1x128x128xf32, #tpu.memory_space<vmem>>
    %dma_wait3A_282 = tpu.memref_squeeze %dma_wait3A_281 : memref<1x128x128xf32, #tpu.memory_space<vmem>> -> memref<128x128xf32, #tpu.memory_space<vmem>>
    %dma_wait3A_283 = arith.constant 0 : i32
    %dma_wait3A_284 = tpu.memref_slice %arg4[%dma_wait3A_277, %mul3A_2, %dma_wait3A_283] : memref<50x4096x128xf32, #tpu.memory_space<hbm>> -> memref<1x128x128xf32, #tpu.memory_space<hbm>>
    %dma_wait3A_285 = tpu.memref_squeeze %dma_wait3A_284 : memref<1x128x128xf32, #tpu.memory_space<hbm>> -> memref<128x128xf32, #tpu.memory_space<hbm>>
    %dma_wait3A_286 = tpu.memref_slice %arg9[%dma_wait3A_278] : memref<5x!tpu.dma_semaphore, #tpu.memory_space<semaphore_mem>> -> memref<1x!tpu.dma_semaphore, #tpu.memory_space<semaphore_mem>>
    %dma_wait3A_287 = tpu.memref_squeeze %dma_wait3A_286 : memref<1x!tpu.dma_semaphore, #tpu.memory_space<semaphore_mem>> -> memref<!tpu.dma_semaphore, #tpu.memory_space<semaphore_mem>>
    %dma_wait3A_288 = arith.constant 0 : i32
    %dma_wait3A_289 = tpu.memref_slice %arg4[%dma_wait3A_277, %mul3A_2, %dma_wait3A_288] : memref<50x4096x128xf32, #tpu.memory_space<hbm>> -> memref<1x128x128xf32, #tpu.memory_space<hbm>>
    %dma_wait3A_290 = tpu.memref_squeeze %dma_wait3A_289 : memref<1x128x128xf32, #tpu.memory_space<hbm>> -> memref<128x128xf32, #tpu.memory_space<hbm>>
    %dma_wait3A_291 = arith.constant 0 : i32
    %dma_wait3A_292 = arith.constant 0 : i32
    %dma_wait3A_293 = tpu.memref_slice %arg6[%dma_wait3A_276, %dma_wait3A_291, %dma_wait3A_292] : memref<5x128x128xf32, #tpu.memory_space<vmem>> -> memref<1x128x128xf32, #tpu.memory_space<vmem>>
    %dma_wait3A_294 = tpu.memref_squeeze %dma_wait3A_293 : memref<1x128x128xf32, #tpu.memory_space<vmem>> -> memref<128x128xf32, #tpu.memory_space<vmem>>
    tpu.wait_dma2 semaphore(%dma_wait3A_287 : memref<!tpu.dma_semaphore, #tpu.memory_space<semaphore_mem>>) src(%dma_wait3A_294 : memref<128x128xf32, #tpu.memory_space<vmem>>) dst(%dma_wait3A_290 : memref<128x128xf32, #tpu.memory_space<hbm>>)
    %dma_wait3A_295 = arith.constant 49 : i32
    %dma_wait3A_296 = arith.constant 4 : i32
    %dma_wait3A_297 = arith.constant 4 : i32
    %dma_wait3A_298 = arith.constant 0 : i32
    %dma_wait3A_299 = arith.constant 0 : i32
    %dma_wait3A_300 = tpu.memref_slice %arg6[%dma_wait3A_296, %dma_wait3A_298, %dma_wait3A_299] : memref<5x128x128xf32, #tpu.memory_space<vmem>> -> memref<1x128x128xf32, #tpu.memory_space<vmem>>
    %dma_wait3A_301 = tpu.memref_squeeze %dma_wait3A_300 : memref<1x128x128xf32, #tpu.memory_space<vmem>> -> memref<128x128xf32, #tpu.memory_space<vmem>>
    %dma_wait3A_302 = arith.constant 0 : i32
    %dma_wait3A_303 = tpu.memref_slice %arg5[%dma_wait3A_295, %dma_wait3A_302] : memref<50x128xi32, #tpu.memory_space<vmem>> -> memref<1x128xi32, #tpu.memory_space<vmem>>
    %dma_wait3A_304 = tpu.memref_squeeze %dma_wait3A_303 : memref<1x128xi32, #tpu.memory_space<vmem>> -> memref<128xi32, #tpu.memory_space<vmem>>
    %dma_wait3A_305 = arith.constant 0 : i32
    %dma_wait3A_306 = arith.constant 0 : i32
    %dma_wait3A_307 = tpu.memref_slice %arg7[%dma_wait3A_305, %dma_wait3A_306] : memref<1000x128xf32, #tpu.memory_space<vmem_shared>> -> memref<1000x128xf32, #tpu.memory_space<vmem_shared>>
    %dma_wait3A_308 = tpu.memref_slice %arg8[%dma_wait3A_297] : memref<5x!tpu.dma_semaphore, #tpu.memory_space<semaphore_mem>> -> memref<1x!tpu.dma_semaphore, #tpu.memory_space<semaphore_mem>>
    %dma_wait3A_309 = tpu.memref_squeeze %dma_wait3A_308 : memref<1x!tpu.dma_semaphore, #tpu.memory_space<semaphore_mem>> -> memref<!tpu.dma_semaphore, #tpu.memory_space<semaphore_mem>>
    tpu.wait_indirect_dma semaphore(%dma_wait3A_309 : memref<!tpu.dma_semaphore, #tpu.memory_space<semaphore_mem>>) src(%dma_wait3A_307 : memref<1000x128xf32, #tpu.memory_space<vmem_shared>>) dst(%dma_wait3A_301 : memref<128x128xf32, #tpu.memory_space<vmem>>)
    %dma_start3A_310 = arith.constant 4 : i32
    %dma_start3A_311 = arith.constant 49 : i32
    %dma_start3A_312 = arith.constant 4 : i32
    %dma_start3A_313 = arith.constant 0 : i32
    %dma_start3A_314 = arith.constant 0 : i32
    %dma_start3A_315 = tpu.memref_slice %arg6[%dma_start3A_310, %dma_start3A_313, %dma_start3A_314] : memref<5x128x128xf32, #tpu.memory_space<vmem>> -> memref<1x128x128xf32, #tpu.memory_space<vmem>>
    %dma_start3A_316 = tpu.memref_squeeze %dma_start3A_315 : memref<1x128x128xf32, #tpu.memory_space<vmem>> -> memref<128x128xf32, #tpu.memory_space<vmem>>
    %dma_start3A_317 = arith.constant 0 : i32
    %dma_start3A_318 = tpu.memref_slice %arg4[%dma_start3A_311, %mul3A_2, %dma_start3A_317] : memref<50x4096x128xf32, #tpu.memory_space<hbm>> -> memref<1x128x128xf32, #tpu.memory_space<hbm>>
    %dma_start3A_319 = tpu.memref_squeeze %dma_start3A_318 : memref<1x128x128xf32, #tpu.memory_space<hbm>> -> memref<128x128xf32, #tpu.memory_space<hbm>>
    %dma_start3A_320 = tpu.memref_slice %arg9[%dma_start3A_312] : memref<5x!tpu.dma_semaphore, #tpu.memory_space<semaphore_mem>> -> memref<1x!tpu.dma_semaphore, #tpu.memory_space<semaphore_mem>>
    %dma_start3A_321 = tpu.memref_squeeze %dma_start3A_320 : memref<1x!tpu.dma_semaphore, #tpu.memory_space<semaphore_mem>> -> memref<!tpu.dma_semaphore, #tpu.memory_space<semaphore_mem>>
    %dma_start3A_322 = arith.constant 0 : i32
    %dma_start3A_323 = tpu.memref_slice %arg4[%dma_start3A_311, %mul3A_2, %dma_start3A_322] : memref<50x4096x128xf32, #tpu.memory_space<hbm>> -> memref<1x128x128xf32, #tpu.memory_space<hbm>>
    %dma_start3A_324 = tpu.memref_squeeze %dma_start3A_323 : memref<1x128x128xf32, #tpu.memory_space<hbm>> -> memref<128x128xf32, #tpu.memory_space<hbm>>
    %dma_start3A_325 = arith.constant 0 : i32
    %dma_start3A_326 = arith.constant 0 : i32
    %dma_start3A_327 = tpu.memref_slice %arg6[%dma_start3A_310, %dma_start3A_325, %dma_start3A_326] : memref<5x128x128xf32, #tpu.memory_space<vmem>> -> memref<1x128x128xf32, #tpu.memory_space<vmem>>
    %dma_start3A_328 = tpu.memref_squeeze %dma_start3A_327 : memref<1x128x128xf32, #tpu.memory_space<vmem>> -> memref<128x128xf32, #tpu.memory_space<vmem>>
    tpu.enqueue_dma source(%dma_start3A_328 : memref<128x128xf32, #tpu.memory_space<vmem>>) target(%dma_start3A_324 : memref<128x128xf32, #tpu.memory_space<hbm>>) target_semaphore(%dma_start3A_321 : memref<!tpu.dma_semaphore, #tpu.memory_space<semaphore_mem>>)
    %dma_wait3A_329 = arith.constant 4 : i32
    %dma_wait3A_330 = arith.constant 49 : i32
    %dma_wait3A_331 = arith.constant 4 : i32
    %dma_wait3A_332 = arith.constant 0 : i32
    %dma_wait3A_333 = arith.constant 0 : i32
    %dma_wait3A_334 = tpu.memref_slice %arg6[%dma_wait3A_329, %dma_wait3A_332, %dma_wait3A_333] : memref<5x128x128xf32, #tpu.memory_space<vmem>> -> memref<1x128x128xf32, #tpu.memory_space<vmem>>
    %dma_wait3A_335 = tpu.memref_squeeze %dma_wait3A_334 : memref<1x128x128xf32, #tpu.memory_space<vmem>> -> memref<128x128xf32, #tpu.memory_space<vmem>>
    %dma_wait3A_336 = arith.constant 0 : i32
    %dma_wait3A_337 = tpu.memref_slice %arg4[%dma_wait3A_330, %mul3A_2, %dma_wait3A_336] : memref<50x4096x128xf32, #tpu.memory_space<hbm>> -> memref<1x128x128xf32, #tpu.memory_space<hbm>>
    %dma_wait3A_338 = tpu.memref_squeeze %dma_wait3A_337 : memref<1x128x128xf32, #tpu.memory_space<hbm>> -> memref<128x128xf32, #tpu.memory_space<hbm>>
    %dma_wait3A_339 = tpu.memref_slice %arg9[%dma_wait3A_331] : memref<5x!tpu.dma_semaphore, #tpu.memory_space<semaphore_mem>> -> memref<1x!tpu.dma_semaphore, #tpu.memory_space<semaphore_mem>>
    %dma_wait3A_340 = tpu.memref_squeeze %dma_wait3A_339 : memref<1x!tpu.dma_semaphore, #tpu.memory_space<semaphore_mem>> -> memref<!tpu.dma_semaphore, #tpu.memory_space<semaphore_mem>>
    %dma_wait3A_341 = arith.constant 0 : i32
    %dma_wait3A_342 = tpu.memref_slice %arg4[%dma_wait3A_330, %mul3A_2, %dma_wait3A_341] : memref<50x4096x128xf32, #tpu.memory_space<hbm>> -> memref<1x128x128xf32, #tpu.memory_space<hbm>>
    %dma_wait3A_343 = tpu.memref_squeeze %dma_wait3A_342 : memref<1x128x128xf32, #tpu.memory_space<hbm>> -> memref<128x128xf32, #tpu.memory_space<hbm>>
    %dma_wait3A_344 = arith.constant 0 : i32
    %dma_wait3A_345 = arith.constant 0 : i32
    %dma_wait3A_346 = tpu.memref_slice %arg6[%dma_wait3A_329, %dma_wait3A_344, %dma_wait3A_345] : memref<5x128x128xf32, #tpu.memory_space<vmem>> -> memref<1x128x128xf32, #tpu.memory_space<vmem>>
    %dma_wait3A_347 = tpu.memref_squeeze %dma_wait3A_346 : memref<1x128x128xf32, #tpu.memory_space<vmem>> -> memref<128x128xf32, #tpu.memory_space<vmem>>
    tpu.wait_dma2 semaphore(%dma_wait3A_340 : memref<!tpu.dma_semaphore, #tpu.memory_space<semaphore_mem>>) src(%dma_wait3A_347 : memref<128x128xf32, #tpu.memory_space<vmem>>) dst(%dma_wait3A_343 : memref<128x128xf32, #tpu.memory_space<hbm>>)
    return
  }
}

</mosaic_0001>

<sc_bundles>
// kernel: kernel.3.cloned.1.call-start
scs
__scs_entry_jumppad:
0x0: {  	(pc) =	sbr.rel $0x88, $3  }
0x1: {  	(tag) =	ssettag $0x0;
	lr =	simm.s32 $0x1  }
0x2: {  	[smem:$0x3F9F] =	sst lr;
	_ =	strace $0xD0000000  }
0x3: {  	_ = 	snop  }
0x4: {  	_ = 	snop  }
0x5: {  	_ = 	snop  }
0x6: {  	_ = 	snop  }
0x7: {  	_ = 	snop  }
__scs_overlays_trampoline_lowered:
0x8: {  	[smem:$0x3FAE] =	sst s0  }
0x9: {  	[smem:$0x3FAF] =	sst s1  }
0xa: {  	[smem:$0x3FB0] =	sst s2  }
0xb: {  	[smem:$0x3FB1] =	sst s3  }
0xc: {  	[smem:$0x3FB2] =	sst s4  }
0xd: {  	[smem:$0x3FB3] =	sst s5  }
0xe: {  	[smem:$0x3FB4] =	sst s6  }
0xf: {  	[smem:$0x3FB5] =	sst s7  }
0x10: {  	[smem:$0x3FB6] =	sst s8  }
0x11: {  	[smem:$0x3FB7] =	sst s9;
	s0 =	simm.s32 @!p0 $0x0  }
0x12: {  	s1 =	sld [smem:$0x3F9D];
	s0 =	simm.s32 @p0 $0x1  }
0x13: {  	[smem:$0x3FB8] =	sst s0;
	s0 =	simm.s32 @!p1 $0x0  }
0x14: {  	s2 =	sld [smem:$0x3F9C];
	s0 =	simm.s32 @p1 $0x1  }
0x15: {  	[smem:$0x3FB9] =	sst s0;
	s0 =	simm.s32 @!p2 $0x0  }
0x16: {  	s3 =	sld [smem:$0x3FDB];
	s0 =	simm.s32 @p2 $0x1  }
0x17: {  	s4 =	simm.s32 $0x1BF5;
	[smem:$0x3FBB] =	sst s0  }
0x18: {  	s0 =	sld [smem:$0x3F9E];
	_ =	swait.ge [sflag:s4], $0x0  }
0x19: {  	s7 =	sld [smem:$0x3F9F]  }
0x1a: {  	s8 =	sadd.s32 $0xFFFFE003, lr  }
0x1b: {  	s9 =	sadd.s32 $0xFFFFFEF7, lr;
	s5 =	simm.s32 $0xFFFFFFFF;
	p2 =	slt.u32 s8, $0xFFFFF086  }
0x1c: {  	p1 =	slt.u32 s9, $0xF7A;
	s5 =	simm.s32 @!p2 $0x0  }
0x1d: {  	s5 =	simm.s32 @p1 $0x1;
	p0 =	seq.s32 s7, s2  }
0x1e: {  	s7 =	smul.u32 @!p0 $0xF7A, s2;
	p2 =	seq.s32 @!p0 s5, $0x0  }
0x1f: {  	s9 =	smul.u32 $0xF7A, s1;
	s8 =	simm.s32 @!p0 $0x1BF5;
	p2 =	por !p2, p0  }
0x20: {  	[sflag:s8] =	ssyncset.s32 @!p0 $0xFFFFF086;
	s6 =	sadd.s32 @!p0 s3, s7;
	s7 =	simm.s32 @!p0 $0x108  }
0x21: {  	s3 =	sadd.s32 s3, s9;
	s6 =	sadd.s32 @!p0 $0x88, s6;
	s7 =	simm.s32 @p2 $0x1082  }
0x22: {  	[simem:s7], [sflag:s8] =	dma.local @!p0 [hbm:s6], $0xF7A  }
0x23: {  	s9 =	sor.u32 $0xD0000000, s2;
	s6 =	simm.s32 $0x108;
	_ =	swait.ge @!p0 [sflag:s8], $0x0  }
0x24: {  	s3 =	sadd.s32 $0x88, s3;
	s6 =	simm.s32 @!p1 $0x1082;
	[sflag:s4] =	ssyncset.s32 $0xFFFFF086  }
0x25: {  	[simem:s6], [sflag:s4] =	dma.local [hbm:s3], $0xF7A  }
0x26: {  	[smem:$0x3F9F] =	sst s1;
	(tag) =	ssettag s2;
	_ =	strace s9  }
0x27: {  	s1 =	sld [smem:$0x3FAF]  }
0x28: {  	s2 =	sld [smem:$0x3FB0]  }
0x29: {  	s4 =	sld [smem:$0x3FB2]  }
0x2a: {  	p0 =	seq.s32 s5, $0x0;
	s5 =	sld [smem:$0x3FB3]  }
0x2b: {  	s6 =	sld [smem:$0x3FB4]  }
0x2c: {  	s7 =	sld [smem:$0x3FB5]  }
0x2d: {  	s3 =	simm.s32 $0x108;
	s8 =	sld [smem:$0x3FB6]  }
0x2e: {  	s3 =	simm.s32 @!p0 $0x1082;
	s9 =	sld [smem:$0x3FB7]  }
0x2f: {  	lr =	sadd.s32 s0, s3;
	s0 =	sld [smem:$0x3FAE]  }
0x30: {  	s3 =	sld [smem:$0x3FB1]  }
0x31: {  	[smem:$0x3FBA] =	sst s10  }
0x32: {  	s10 =	sld [smem:$0x3FB8];
	_ =	sdelay $0x3  }
0x33: {  	p0 =	seq.s32 s10, $0x1;
	s10 =	sld [smem:$0x3FBA];
	_ =	sdelay $0x3  }
0x34: {  	[smem:$0x3FBA] =	sst s10  }
0x35: {  	s10 =	sld [smem:$0x3FB9];
	_ =	sdelay $0x3  }
0x36: {  	p1 =	seq.s32 s10, $0x1;
	s10 =	sld [smem:$0x3FBA];
	_ =	sdelay $0x3  }
0x37: {  	[smem:$0x3FBA] =	sst s10  }
0x38: {  	s10 =	sld [smem:$0x3FBB]  }
0x39: {  	_ = 	snop;
	(pc) =	sbr.ind lr, $3  }
0x3a: {  	_ = 	snop  }
0x3b: {  	_ = 	snop  }
0x3c: {  	p2 =	seq.s32 s10, $0x1;
	s10 =	sld [smem:$0x3FBA]  }
0x3d: {  	_ =	shalt  }
0x3e: {  	_ =	shalt  }
0x3f: {  	_ =	shalt  }
0x40: {  	_ =	shalt  }
0x41: {  	_ =	shalt  }
0x42: {  	_ =	shalt  }
0x43: {  	_ =	shalt  }
0x44: {  	_ =	shalt  }
0x45: {  	_ =	shalt  }
0x46: {  	_ =	shalt  }
0x47: {  	_ =	shalt  }
0x48: {  	_ =	shalt  }
0x49: {  	_ =	shalt  }
0x4a: {  	_ =	shalt  }
0x4b: {  	_ =	shalt  }
0x4c: {  	_ =	shalt  }
0x4d: {  	_ =	shalt  }
0x4e: {  	_ =	shalt  }
0x4f: {  	_ =	shalt  }
0x50: {  	_ =	shalt  }
0x51: {  	_ =	shalt  }
0x52: {  	_ =	shalt  }
0x53: {  	_ =	shalt  }
0x54: {  	_ =	shalt  }
0x55: {  	_ =	shalt  }
0x56: {  	_ =	shalt  }
0x57: {  	_ =	shalt  }
0x58: {  	_ =	shalt  }
0x59: {  	_ =	shalt  }
0x5a: {  	_ =	shalt  }
0x5b: {  	_ =	shalt  }
0x5c: {  	_ =	shalt  }
0x5d: {  	_ =	shalt  }
0x5e: {  	_ =	shalt  }
0x5f: {  	_ =	shalt  }
0x60: {  	_ =	shalt  }
0x61: {  	_ =	shalt  }
0x62: {  	_ =	shalt  }
0x63: {  	_ =	shalt  }
0x64: {  	_ =	shalt  }
0x65: {  	_ =	shalt  }
0x66: {  	_ =	shalt  }
0x67: {  	_ =	shalt  }
0x68: {  	_ =	shalt  }
0x69: {  	_ =	shalt  }
0x6a: {  	_ =	shalt  }
0x6b: {  	_ =	shalt  }
0x6c: {  	_ =	shalt  }
0x6d: {  	_ =	shalt  }
0x6e: {  	_ =	shalt  }
0x6f: {  	_ =	shalt  }
0x70: {  	_ =	shalt  }
0x71: {  	_ =	shalt  }
0x72: {  	_ =	shalt  }
0x73: {  	_ =	shalt  }
0x74: {  	_ =	shalt  }
0x75: {  	_ =	shalt  }
0x76: {  	_ =	shalt  }
0x77: {  	_ =	shalt  }
0x78: {  	_ =	shalt  }
0x79: {  	_ =	shalt  }
0x7a: {  	_ =	shalt  }
0x7b: {  	_ =	shalt  }
0x7c: {  	_ =	shalt  }
0x7d: {  	_ =	shalt  }
0x7e: {  	_ =	shalt  }
0x7f: {  	_ =	shalt  }
0x80: {  	_ =	shalt  }
0x81: {  	_ =	shalt  }
0x82: {  	_ =	shalt  }
0x83: {  	_ =	shalt  }
0x84: {  	_ =	shalt  }
0x85: {  	_ =	shalt  }
0x86: {  	_ =	shalt  }
0x87: {  	_ =	shalt  }
.Lfunc_end0:
.L_simem_size_0:
called_computation_lowered:
.L_overlay_start_0:
0x88: {  	s2 =	sld [smem:$0x3FD9]  }
0x89: {  	s3 =	sld [smem:$0x3FFE];
	_ =	sdelay $0x1  }
0x8a: {  	s1 =	srdreg.scid  }
0x8b: {  	s0 =	sand.u32 $0x1, s1  }
0x8c: {  	s18 =	sshll.u32 s0, $0xA;
	s2 =	sadd.s32 s3, s2  }
0x8d: {  	s2 =	sadd.s32 s2, s18  }
0x8e: {  	[smem:$0x3FC6] =	sst s2  }
0x8f: {  	_ = 	snop  }
0x90: {  	s2 =	sld [smem:$0x3FC9]  }
0x91: {  	s19 =	sld [smem:$0x3FC8]  }
0x92: {  	s4 =	sld [smem:$0x3FD0];
	(tm) =	ssettm $0x1  }
0x93: {  	s5 =	sld [smem:$0x3FFB];
	_ =	sdelay $0x3  }
0x94: {  	_ =	strace s5  }
0x95: {  	s5 =	sld [smem:$0x3FFC];
	_ =	sdelay $0x3  }
0x96: {  	_ =	strace s5  }
0x97: {  	s5 =	sld [smem:$0x3FFD];
	_ =	sdelay $0x3  }
0x98: {  	_ =	strace s5  }
0x99: {  	_ =	strace $0x8FFFFFFF  }
0x9a: {  	s20 =	sld [smem:$0x3FDB];
	_ =	sdelay $0x1  }
0x9b: {  	s6 =	simm.s32 $_scs_section_size  }
0x9c: {  	s7 =	simm.s32 $_size__tile_overlayer_lowered;
	s8 =	simm.s32 $_tile_overlayer_lowered  }
0x9d: {  	s23 =	simm.s32 $0x1BFF;
	s22 =	sshll.u32 s8, $0x1;
	s5 =	sadd.s32 s6, s20  }
0x9e: {  	s9 =	simm.s32 $0x0;
	s21 =	sshll.u32 s7, $0x1;
	s7 =	sadd.s32 s22, s5  }
0x9f: {  	[timem:s9], [sflag:s23] =	dma.local [hbm:s7], s21  }
0xa0: {  	_ =	swait.ge [sflag:s23], s21  }
0xa1: {  	s6 =	ssub.s32 $0x0, s21;
	[sflag:s23] =	ssyncset.done $0x0  }
0xa2: {  	[sflag:s23] =	ssyncadd.s32 s6;
	_ =	sdelay $0x1  }
0xa3: {  	s24 =	simm.s32 $0x1B8B  }
0xa4: {  	_ =	swait.ge [sflag:s24], $0x1  }
0xa5: {  	[sflag:s24] =	ssyncset.done $0x0  }
0xa6: {  	s25 =	simm.s32 $0x1B8E;
	[sflag:s24] =	ssyncadd.s32 $0xFFFFFFFF  }
0xa7: {  	s26 =	simm.s32 $execute0_lowered;
	[smem:$0x3FD2] =	sst s25  }
0xa8: {  	s6 =	sshll.u32 s26, $0x1;
	_ =	strace $0x80000046;
	[dreg:$0x1] =	wrdreg $0xFFFFFFFF  }
0xa9: {  	s28 =	simm.s32 $_size_execute0_lowered;
	s5 =	sadd.s32 s5, s6;
	[dreg:$0x0] =	wrdreg $0x0  }
0xaa: {  	s6 =	sshll.u32 s28, $0x1;
	[dreg:$0x2] =	wrdreg s5  }
0xab: {  	[dreg:$0x3] =	wrdreg s6  }
0xac: {  	[dreg:$0x4] =	wrdreg $0xC0  }
0xad: {  	_ =	task [dreg:s9], $0x5FFFF  }
0xae: {  	[dreg:$0x1] =	wrdreg $0xFFFFFFFF  }
0xaf: {  	[dreg:$0x0] =	wrdreg $0x60  }
0xb0: {  	[dreg:$0x2] =	wrdreg s2  }
0xb1: {  	[dreg:$0x3] =	wrdreg s19  }
0xb2: {  	[dreg:$0x4] =	wrdreg s4  }
0xb3: {  	[dreg:$0x5] =	wrdreg $0x15C000  }
0xb4: {  	[dreg:$0x6] =	wrdreg $0x9  }
0xb5: {  	_ =	task.clear_ibuf [dreg:s9], $0x7FFFF;
	_ =	strace $0x90000046  }
0xb6: {  	s29 =	simm.s32 $0x9;
	_ =	strace $0x80000048  }
0xb7: {  	_ =	swait.ge [sflag:s29], $0x1  }
0xb8: {  	[sflag:s29] =	ssyncadd.s32 $0xFFFFFFFF  }
0xb9: {  	_ =	strace $0x90000048  }
0xba: {  	_ =	sfence  }
0xbb: {  	s30 =	sld [smem:$0x0];
	_ =	sdelay $0x2  }
0xbc: {  	s31 =	sshll.u32 s1, $0xD;
	s1 =	sshrl.u32 s1, $0x2  }
0xbd: {  	s3 =	sand.u32 $0x4000, s31;
	s1 =	sadd.s32 s1, s30  }
0xbe: {  	s0 =	sor.u32 s3, s0;
	s1 =	sshll.u32 s1, $0x11  }
0xbf: {  	s0 =	sor.u32 s1, s0  }
0xc0: {  	s0 =	sadd.s32 $0x8F2B, s0  }
0xc1: {  	[sflag:s0] =	ssyncadd.remote.s32 $0x1  }
0xc2: {  	_ =	sfence.sel $0xFFFF  }
0xc3: {  	[dreg:$0x0] =	wrdreg $0xFFFFFFFF;
	(pc) =	sbr.abs _section_cstart, $3  }
0xc4: {  	[dreg:$0x1] =	wrdreg $0xFFFFFFFF  }
0xc5: {  	_ =	task.clear_ibuf [dreg:s9], $0x2FFFF;
	_ =	strace $0x9FFFFFFF  }
0xc6: {  	(tm) =	ssettm $0x7FFFFFFF  }
0xc7: {  	_ =	shalt  }
tec
execute0_lowered:
.L_overlay_start_1:
0x0: {  	(tag) =	ssettag $0x1  }
0x1: {  	s0 =	rddreg [dreg:$0x0]  }
0x2: {  	s1 =	rddreg [dreg:$0x2]  }
0x3: {  	s2 =	rddreg [dreg:$0x3];
	s3 =	simm.s32 $0x0;
	s4 =	srdreg.scid  }
0x4: {  	s5 =	stileid.u32;
	s29 =	simm.s32 $0xDC00;
	s31 =	simm.s32 $0x11C00  }
0x5: {  	s28 =	simm.s32 $0x4;
	s30 =	simm.s32 $0x9;
	[smem:$0x7FF] =	sst s3  }
0x6: {  	s4 =	sand.u32 $0x1, s4;
	s7 =	sshll.u32 s5, $0x8;
	s13 =	sshll.u32 s5, $0xF  }
0x7: {  	p0 =	sne.s32 s5, $0x0;
	s5 =	simm.s32 $0x5;
	s6 =	ssub.s32 $0x2, s4  }
0x8: {  	s8 =	sshll.u32 s4, $0x7;
	_ =	strace $0x80000047;
	s4 =	sshll.u32 s4, $0xE  }
0x9: {  	s9 =	sshrl.u32 s6, $0x1;
	s7 =	sor.u32 s8, s7;
	s4 =	sor.u32 s4, s13  }
0xa: {  	s6 =	ssub.s32 s6, s9;
	s8 =	sadd.s32 s0, s7;
	s12 =	sshll.u32 s7, $0x4  }
0xb: {  	s18 =	sor.u32 $0x200000, s4;
	s21 =	sor.u32 $0x180000, s4;
	s22 =	sor.u32 $0x100000, s4  }
0xc: {  	s23 =	sor.u32 $0x80000, s4;
	s25 =	sshrl.u32 s4, $0x3;
	s7 =	simm.s32 $0x0  }
0xd: {  	s0 =	sadd.s32 s12, s1;
	s19 =	smax.u32 s6, $0x1;
	s20 =	sshrl.u32 s18, $0x3  }
0xe: {  	s6 =	sshrl.u32 s22, $0x3;
	s24 =	sshrl.u32 s23, $0x3;
	[dreg:$0x5] =	wrdreg s8  }
0xf: {  	s26 =	sadd.s32 $0x6000, s8;
	s22 =	simm.s32 $0x80;
	[dreg:$0xb] =	wrdreg s19  }
0x10: {  	s23 =	simm.s32 $0x1C00;
	s14 =	sadd.s32 $0x2D0000, s0;
	[dreg:$0xe] =	wrdreg s26  }
0x11: {  	s18 =	simm.s32 $0x7;
	s15 =	sadd.s32 $0x2E0000, s0;
	[dreg:$0x6] =	wrdreg s14  }
0x12: {  	s16 =	sadd.s32 $0x2F0000, s0;
	s17 =	sadd.s32 $0x300000, s0;
	[dreg:$0x7] =	wrdreg s15  }
0x13: {  	s0 =	sadd.s32 $0x310000, s0;
	s13 =	sadd.s32 s6, s1;
	[dreg:$0x8] =	wrdreg s16  }
0x14: {  	s26 =	simm.s32 $0x9C00;
	s6 =	simm.s32 $0xA;
	[dreg:$0x9] =	wrdreg s17  }
0x15: {  	[dreg:$0xa] =	wrdreg s0;
	s0 =	sadd.s32 s20, s1;
	s14 =	sadd.s32 s24, s1  }
0x16: {  	s15 =	sadd.s32 s25, s1;
	s24 =	simm.s32 $0x5C00;
	s17 =	simm.s32 $0x2  }
0x17: {  	s20 =	simm.s32 $0x3;
	[dreg:$0xc] =	wrdreg s0;
	s0 =	sshrl.u32 s21, $0x3  }
0x18: {  	s25 =	simm.s32 $0x8;
	s12 =	sadd.s32 s0, s1;
	s0 =	sshrl.u32 @!p0 s2, $0x3  }
0x19: {  	s1 =	simm.s32 $0x6;
	[dreg:$0xd] =	wrdreg s0;
	s0 =	simm.s32 $0x1  }
.LBB2_1:
0x1a: {  	s8 =	rddreg [dreg:$0x1]  }
0x1b: {  	s4 =	simm.s32 @!p0 $0x1C0B;
	s9 =	rddreg [dreg:$0xd]  }
0x1c: {  	[spmem:s9], [sflag:s4] =	dma.local @!p0 [hbm:s8], $0x3E80  }
0x1d: {  	s4 =	simm.s32 @!p0 $0xB  }
0x1e: {  	_ =	swait.ge @!p0 [sflag:s4], $0x3E80  }
0x1f: {  	s10 =	simm.s32 $0x400;
	[sflag:s4] =	ssyncset.done @!p0 $0x0  }
0x20: {  	s11 =	simm.s32 $0x8000;
	s9 =	rddreg [dreg:$0x5];
	[sflag:s4] =	ssyncadd.s32 @!p0 $0xFFFFC180  }
0x21: {  	[tilespmem:s3], [sflag:$0xB] =	stream.strided.gather [hbm4b:s9+s10], $0x1800, s11, s10, $0x38;
	[tilespmem:$0x17B40] =	vst v63  }
0x22: {  	s19 =	simm.s32 $0x1800;
	s21 =	simm.s32 $0xB;
	s16 =	rddreg [dreg:$0xe]  }
0x23: {  	[tilespmem:s19], [sflag:$0xB] =	stream.linear.gather [hbm4b:s16+s3], $0x100, $0x38;
	[tilespmem:$0x17B40] =	vst v63  }
0x24: {  	_ =	swait.ge [sflag:s21], $0x1900  }
0x25: {  	[sflag:s21] =	ssyncset.done $0x0  }
0x26: {  	[sflag:s21] =	ssyncadd.s32 $0xFFFFE700  }
0x27: {  	[bflag:$0x0] =	sbarrier.arrive $0xFFFF  }
0x28: {  	[tilespmem:s23], [sflag:$0x1] =	stream.indirect.gather [spmem:s2], $0x80, s3, s22, $0xb8;
	[tilespmem:$0x17B40] =	vst v63  }
0x29: {  	_ = 	snop  }
0x2a: {  	[tilespmem:s24], [sflag:$0x2] =	stream.indirect.gather [spmem:s2], $0x80, s22, s22, $0xb8;
	[tilespmem:$0x17B40] =	vst v63  }
0x2b: {  	s8 =	simm.s32 $0x100  }
0x2c: {  	[tilespmem:s26], [sflag:$0x3] =	stream.indirect.gather [spmem:s2], $0x80, s8, s22, $0xb8;
	[tilespmem:$0x17B40] =	vst v63  }
0x2d: {  	s9 =	simm.s32 $0x180  }
0x2e: {  	[tilespmem:s29], [sflag:$0x4] =	stream.indirect.gather [spmem:s2], $0x80, s9, s22, $0xb8;
	[tilespmem:$0x17B40] =	vst v63  }
0x2f: {  	s10 =	simm.s32 $0x200  }
0x30: {  	[tilespmem:s31], [sflag:$0x5] =	stream.indirect.gather [spmem:s2], $0x80, s10, s22, $0xb8;
	[tilespmem:$0x17B40] =	vst v63  }
0x31: {  	_ =	swait.ge [sflag:s0], $0x4000  }
0x32: {  	[sflag:s0] =	ssyncset.done $0x0  }
0x33: {  	[sflag:s0] =	ssyncadd.s32 $0xFFFFC000  }
0x34: {  	[hbm4b:s15+s3] =	stream.linear.scatter [tilespmem:s23], [sflag:$0x6], $0x4000, $0x38;
	[tilespmem:$0x17B40] =	vst v63  }
0x35: {  	_ =	swait.ge [sflag:s1], $0x4000  }
0x36: {  	[sflag:s1] =	ssyncset.done $0x0  }
0x37: {  	s11 =	simm.s32 $0x280;
	[sflag:s1] =	ssyncadd.s32 $0xFFFFC000  }
0x38: {  	[tilespmem:s23], [sflag:$0x1] =	stream.indirect.gather [spmem:s2], $0x80, s11, s22, $0xb8;
	[tilespmem:$0x17B40] =	vst v63  }
0x39: {  	_ =	swait.ge [sflag:s17], $0x4000  }
0x3a: {  	[sflag:s17] =	ssyncset.done $0x0  }
0x3b: {  	[sflag:s17] =	ssyncadd.s32 $0xFFFFC000  }
0x3c: {  	[hbm4b:s14+s3] =	stream.linear.scatter [tilespmem:s24], [sflag:$0x7], $0x4000, $0x38;
	[tilespmem:$0x17B40] =	vst v63  }
0x3d: {  	_ =	swait.ge [sflag:s18], $0x4000  }
0x3e: {  	[sflag:s18] =	ssyncset.done $0x0  }
0x3f: {  	s16 =	simm.s32 $0x300;
	[sflag:s18] =	ssyncadd.s32 $0xFFFFC000  }
0x40: {  	[tilespmem:s24], [sflag:$0x2] =	stream.indirect.gather [spmem:s2], $0x80, s16, s22, $0xb8;
	[tilespmem:$0x17B40] =	vst v63  }
0x41: {  	_ =	swait.ge [sflag:s20], $0x4000  }
0x42: {  	[sflag:s20] =	ssyncset.done $0x0  }
0x43: {  	[sflag:s20] =	ssyncadd.s32 $0xFFFFC000  }
0x44: {  	[hbm4b:s13+s3] =	stream.linear.scatter [tilespmem:s26], [sflag:$0x8], $0x4000, $0x38;
	[tilespmem:$0x17B40] =	vst v63  }
0x45: {  	_ =	swait.ge [sflag:s25], $0x4000  }
0x46: {  	[sflag:s25] =	ssyncset.done $0x0  }
0x47: {  	s19 =	simm.s32 $0x380;
	[sflag:s25] =	ssyncadd.s32 $0xFFFFC000  }
0x48: {  	[tilespmem:s26], [sflag:$0x3] =	stream.indirect.gather [spmem:s2], $0x80, s19, s22, $0xb8;
	[tilespmem:$0x17B40] =	vst v63  }
0x49: {  	_ =	swait.ge [sflag:s28], $0x4000  }
0x4a: {  	[sflag:s28] =	ssyncset.done $0x0  }
0x4b: {  	[sflag:s28] =	ssyncadd.s32 $0xFFFFC000  }
0x4c: {  	[hbm4b:s12+s3] =	stream.linear.scatter [tilespmem:s29], [sflag:$0x9], $0x4000, $0x38;
	[tilespmem:$0x17B40] =	vst v63  }
0x4d: {  	_ =	swait.ge [sflag:s30], $0x4000  }
0x4e: {  	[sflag:s30] =	ssyncset.done $0x0  }
0x4f: {  	s21 =	simm.s32 $0x400;
	[sflag:s30] =	ssyncadd.s32 $0xFFFFC000  }
0x50: {  	[tilespmem:s29], [sflag:$0x4] =	stream.indirect.gather [spmem:s2], $0x80, s21, s22, $0xb8;
	[tilespmem:$0x17B40] =	vst v63  }
0x51: {  	_ =	swait.ge [sflag:s5], $0x4000  }
0x52: {  	[sflag:s5] =	ssyncset.done $0x0  }
0x53: {  	s4 =	simm.s32 $0xA00;
	s11 =	rddreg [dreg:$0xc];
	[sflag:s5] =	ssyncadd.s32 $0xFFFFC000  }
0x54: {  	[hbm4b:s11+s3] =	stream.linear.scatter [tilespmem:s31], [sflag:$0xA], $0x4000, $0x38;
	[tilespmem:$0x17B40] =	vst v63  }
0x55: {  	s8 =	sadd.s32 $0x50000, s14;
	s9 =	sadd.s32 $0x50000, s15;
	_ =	swait.ge [sflag:s6], $0x4000  }
0x56: {  	s10 =	sadd.s32 $0x50000, s12;
	s16 =	sadd.s32 $0x50000, s13;
	[sflag:s6] =	ssyncset.done $0x0  }
0x57: {  	s21 =	simm.s32 $0x480;
	s19 =	sadd.s32 $0x50000, s11;
	[sflag:s6] =	ssyncadd.s32 $0xFFFFC000  }
.LBB2_2:
0x58: {  	[tilespmem:s31], [sflag:$0x5] =	stream.indirect.gather [spmem:s2], $0x80, s21, s22, $0xb8;
	[tilespmem:$0x17B40] =	vst v63  }
0x59: {  	s21 =	smov.u32 s4  }
0x5a: {  	p1 =	sne.s32 s4, $0x5000;
	s4 =	sadd.s32 $0xA00, s4;
	_ =	swait.ge [sflag:s0], $0x4000  }
0x5b: {  	[sflag:s0] =	ssyncset.done $0x0  }
0x5c: {  	[sflag:s0] =	ssyncadd.s32 $0xFFFFC000  }
0x5d: {  	[hbm4b:s9+s3] =	stream.linear.scatter [tilespmem:s23], [sflag:$0x6], $0x4000, $0x38;
	[tilespmem:$0x17B40] =	vst v63  }
0x5e: {  	_ =	swait.ge [sflag:s1], $0x4000  }
0x5f: {  	s21 =	sshra.s32 s21, $0x2;
	[sflag:s1] =	ssyncset.done $0x0  }
0x60: {  	s11 =	sadd.s32 $0x280, s21;
	[sflag:s1] =	ssyncadd.s32 $0xFFFFC000  }
0x61: {  	[tilespmem:s23], [sflag:$0x1] =	stream.indirect.gather [spmem:s2], $0x80, s11, s22, $0xb8;
	[tilespmem:$0x17B40] =	vst v63  }
0x62: {  	_ =	swait.ge [sflag:s17], $0x4000  }
0x63: {  	[sflag:s17] =	ssyncset.done $0x0  }
0x64: {  	[sflag:s17] =	ssyncadd.s32 $0xFFFFC000  }
0x65: {  	[hbm4b:s8+s3] =	stream.linear.scatter [tilespmem:s24], [sflag:$0x7], $0x4000, $0x38;
	[tilespmem:$0x17B40] =	vst v63  }
0x66: {  	_ =	swait.ge [sflag:s18], $0x4000  }
0x67: {  	[sflag:s18] =	ssyncset.done $0x0  }
0x68: {  	s11 =	sadd.s32 $0x300, s21;
	[sflag:s18] =	ssyncadd.s32 $0xFFFFC000  }
0x69: {  	[tilespmem:s24], [sflag:$0x2] =	stream.indirect.gather [spmem:s2], $0x80, s11, s22, $0xb8;
	[tilespmem:$0x17B40] =	vst v63  }
0x6a: {  	_ =	swait.ge [sflag:s20], $0x4000  }
0x6b: {  	[sflag:s20] =	ssyncset.done $0x0  }
0x6c: {  	[sflag:s20] =	ssyncadd.s32 $0xFFFFC000  }
0x6d: {  	[hbm4b:s16+s3] =	stream.linear.scatter [tilespmem:s26], [sflag:$0x8], $0x4000, $0x38;
	[tilespmem:$0x17B40] =	vst v63  }
0x6e: {  	_ =	swait.ge [sflag:s25], $0x4000  }
0x6f: {  	[sflag:s25] =	ssyncset.done $0x0  }
0x70: {  	s11 =	sadd.s32 $0x380, s21;
	[sflag:s25] =	ssyncadd.s32 $0xFFFFC000  }
0x71: {  	[tilespmem:s26], [sflag:$0x3] =	stream.indirect.gather [spmem:s2], $0x80, s11, s22, $0xb8;
	[tilespmem:$0x17B40] =	vst v63  }
0x72: {  	_ =	swait.ge [sflag:s28], $0x4000  }
0x73: {  	[sflag:s28] =	ssyncset.done $0x0  }
0x74: {  	[sflag:s28] =	ssyncadd.s32 $0xFFFFC000  }
0x75: {  	[hbm4b:s10+s3] =	stream.linear.scatter [tilespmem:s29], [sflag:$0x9], $0x4000, $0x38;
	[tilespmem:$0x17B40] =	vst v63  }
0x76: {  	_ =	swait.ge [sflag:s30], $0x4000  }
0x77: {  	[sflag:s30] =	ssyncset.done $0x0  }
0x78: {  	s11 =	sadd.s32 $0x400, s21;
	[sflag:s30] =	ssyncadd.s32 $0xFFFFC000  }
0x79: {  	[tilespmem:s29], [sflag:$0x4] =	stream.indirect.gather [spmem:s2], $0x80, s11, s22, $0xb8;
	[tilespmem:$0x17B40] =	vst v63  }
0x7a: {  	_ =	swait.ge [sflag:s5], $0x4000  }
0x7b: {  	[sflag:s5] =	ssyncset.done $0x0  }
.Ltmp0:
0x7c: {  	[sflag:s5] =	ssyncadd.s32 $0xFFFFC000;
	(pc) =	sbr.rel @p1 .LBB2_2-.Ltmp0, $4  }
0x7d: {  	[hbm4b:s19+s3] =	stream.linear.scatter [tilespmem:s31], [sflag:$0xA], $0x4000, $0x38;
	[tilespmem:$0x17B40] =	vst v63  }
0x7e: {  	s9 =	sadd.s32 $0x50000, s9;
	s8 =	sadd.s32 $0x50000, s8;
	_ =	swait.ge [sflag:s6], $0x4000  }
0x7f: {  	s16 =	sadd.s32 $0x50000, s16;
	s10 =	sadd.s32 $0x50000, s10;
	[sflag:s6] =	ssyncset.done $0x0  }
0x80: {  	s21 =	sadd.s32 $0x480, s21;
	s19 =	sadd.s32 $0x50000, s19;
	[sflag:s6] =	ssyncadd.s32 $0xFFFFC000  }
0x81: {  	[tilespmem:s31], [sflag:$0x5] =	stream.indirect.gather [spmem:s2], $0x80, s21, s22, $0xb8;
	[tilespmem:$0x17B40] =	vst v63  }
0x82: {  	_ =	swait.ge [sflag:s0], $0x4000  }
0x83: {  	[sflag:s0] =	ssyncset.done $0x0  }
0x84: {  	s4 =	rddreg [dreg:$0x6];
	[sflag:s0] =	ssyncadd.s32 $0xFFFFC000  }
0x85: {  	[hbm4b:s4+s3] =	stream.linear.scatter [tilespmem:s23], [sflag:$0x6], $0x4000, $0x38;
	[tilespmem:$0x17B40] =	vst v63  }
0x86: {  	_ =	swait.ge [sflag:s1], $0x4000  }
0x87: {  	[sflag:s1] =	ssyncset.done $0x0  }
0x88: {  	[sflag:s1] =	ssyncadd.s32 $0xFFFFC000  }
0x89: {  	_ =	swait.ge [sflag:s17], $0x4000  }
0x8a: {  	[sflag:s17] =	ssyncset.done $0x0  }
0x8b: {  	s10 =	rddreg [dreg:$0x7];
	[sflag:s17] =	ssyncadd.s32 $0xFFFFC000  }
0x8c: {  	[hbm4b:s10+s3] =	stream.linear.scatter [tilespmem:s24], [sflag:$0x7], $0x4000, $0x38;
	[tilespmem:$0x17B40] =	vst v63  }
0x8d: {  	_ =	swait.ge [sflag:s18], $0x4000  }
0x8e: {  	[sflag:s18] =	ssyncset.done $0x0  }
0x8f: {  	[sflag:s18] =	ssyncadd.s32 $0xFFFFC000  }
0x90: {  	_ =	swait.ge [sflag:s20], $0x4000  }
0x91: {  	[sflag:s20] =	ssyncset.done $0x0  }
0x92: {  	s11 =	rddreg [dreg:$0x8];
	[sflag:s20] =	ssyncadd.s32 $0xFFFFC000  }
0x93: {  	[hbm4b:s11+s3] =	stream.linear.scatter [tilespmem:s26], [sflag:$0x8], $0x4000, $0x38;
	[tilespmem:$0x17B40] =	vst v63  }
0x94: {  	_ =	swait.ge [sflag:s25], $0x4000  }
0x95: {  	[sflag:s25] =	ssyncset.done $0x0  }
0x96: {  	[sflag:s25] =	ssyncadd.s32 $0xFFFFC000  }
0x97: {  	_ =	swait.ge [sflag:s28], $0x4000  }
0x98: {  	[sflag:s28] =	ssyncset.done $0x0  }
0x99: {  	s16 =	rddreg [dreg:$0x9];
	[sflag:s28] =	ssyncadd.s32 $0xFFFFC000  }
0x9a: {  	[hbm4b:s16+s3] =	stream.linear.scatter [tilespmem:s29], [sflag:$0x9], $0x4000, $0x38;
	[tilespmem:$0x17B40] =	vst v63  }
0x9b: {  	_ =	swait.ge [sflag:s30], $0x4000  }
0x9c: {  	[sflag:s30] =	ssyncset.done $0x0  }
0x9d: {  	[sflag:s30] =	ssyncadd.s32 $0xFFFFC000  }
0x9e: {  	_ =	swait.ge [sflag:s5], $0x4000  }
0x9f: {  	[sflag:s5] =	ssyncset.done $0x0  }
0xa0: {  	s19 =	rddreg [dreg:$0xa];
	[sflag:s5] =	ssyncadd.s32 $0xFFFFC000  }
0xa1: {  	[hbm4b:s19+s3] =	stream.linear.scatter [tilespmem:s31], [sflag:$0xA], $0x4000, $0x38;
	[tilespmem:$0x17B40] =	vst v63  }
0xa2: {  	_ =	swait.ge [sflag:s6], $0x4000  }
0xa3: {  	s7 =	sadd.s32 $0x1, s7;
	s21 =	rddreg [dreg:$0xb]  }
0xa4: {  	p1 =	sne.s32 s7, s21  }
.Ltmp1:
0xa5: {  	_ = 	snop;
	(pc) =	sbr.rel @p1 .LBB2_1-.Ltmp1, $3  }
0xa6: {  	_ =	sdelay $0x1  }
0xa7: {  	[sflag:s6] =	ssyncset.done $0x0  }
0xa8: {  	[sflag:s6] =	ssyncadd.s32 $0xFFFFC000  }
0xa9: {  	_ =	sfence.sel $0x180000  }
0xaa: {  	[bflag:$0x0] =	sbarrier.arrive $0xFFFF  }
0xab: {  	_ =	strace $0x90000047  }
0xac: {  	[bflag:$0x2] =	sbarrier.arrive $0xFFFF  }
0xad: {  	s0 =	rddreg [dreg:$0x4]  }
0xae: {  	s0 =	sadd.s32 @!p0 $0x100000, s0  }
0xaf: {  	[sflag:s0] =	ssyncadd.tile.s32 @!p0 $0x1;
	_ =	shalt  }
.Lfunc_end2:
_tile_overlayer_lowered:
.L_overlay_start_2:
0xb0: {  	(tag) =	ssettag $0x2  }
0xb1: {  	s0 =	rddreg [dreg:$0x0];
	s2 =	stileid.u32  }
0xb2: {  	s1 =	rddreg [dreg:$0x1];
	p0 =	sne.s32 s2, $0x0  }
0xb3: {  	s3 =	rddreg [dreg:$0x2];
	[bflag:$0x3] =	sbarrier.arrive $0xFFFF;
	s2 =	simm.s32 @!p0 $0x1C0B  }
0xb4: {  	[timem:s3], [sflag:s2] =	dma.local @!p0 [hbm:s0], s1  }
0xb5: {  	s0 =	simm.s32 @!p0 $0xB  }
0xb6: {  	_ =	swait.ge @!p0 [sflag:s0], s1  }
0xb7: {  	s1 =	ssub.s32 @!p0 $0x0, s1;
	[sflag:s0] =	ssyncset.done @!p0 $0x0  }
0xb8: {  	[sflag:s0] =	ssyncadd.s32 @!p0 s1  }
0xb9: {  	[bflag:$0x3] =	sbarrier.arrive $0xFFFF  }
0xba: {  	_ =	shalt  }

</sc_bundles>
